<compile_context>
chip_gen: v7x
topology: tpu7x:2x2x1
jax: 0.10.2.dev20260603
libtpu: 0.0.44.dev20260713+nightly
codegen_flags: <defaults>
</compile_context>

<pallas_src>
import functools

import jax
import jax.numpy as jnp
from jax import lax
from jax.experimental import pallas as pl
from jax.experimental.pallas import tpu as pltpu
from jax.experimental.pallas import tpu_sc as plsc

B = 1024
L = 50
C = 1000
LP = 64
NW = 32
CROWS = 40
CPP = C // CROWS
NCHUNK = L * CPP
NC_LO = NCHUNK // NW
NC_REM = NCHUNK - NC_LO * NW
NC_MAX = NC_LO + 1
TW = 16


def _onehot_body(t_hbm, z_hbm, y_hbm, t_v, buf0, buf1, sem0, sem1):
    wid = lax.axis_index("s") * 2 + lax.axis_index("c")
    nc = jnp.where(wid < NC_REM, NC_LO + 1, NC_LO)
    qc0 = wid * NC_LO + lax.min(wid, NC_REM)

    lw0 = (qc0 // CPP) // 8 * 8
    h_t = pltpu.async_copy(t_hbm.at[pl.ds(lw0, TW)], t_v, sem0)
    h_z0 = pltpu.async_copy(z_hbm, buf0, sem1)
    h_z1 = pltpu.async_copy(z_hbm, buf1, sem1)
    h_t.wait()
    h_z0.wait()
    h_z1.wait()

    zeros16 = jnp.zeros((16,), jnp.float32)
    ones16 = jnp.ones((16,), jnp.float32)
    iota16 = lax.iota(jnp.int32, 16)
    bufs = (buf0, buf1)
    sems = (sem0, sem1)

    def _scatter(buf, qc, val16):
        l = qc // CPP
        c_lo = (qc - l * CPP) * CROWS

        def _v(v4, carry):
            for u in range(4):
                v = v4 * 4 + u
                tl = t_v[l - lw0, pl.ds(v * 16, 16)]
                m = (tl >= c_lo) & (tl < c_lo + CROWS)
                plsc.store_scatter(buf, [tl - c_lo, iota16 + v * 16], val16,
                                   mask=m)
            return carry

        lax.fori_loop(0, B // 64, _v, 0)
        return l, c_lo

    def _pair(k2, carry):
        for half in range(2):
            k = k2 * 2 + half
            buf, sem = bufs[half], sems[half]

            @pl.when(k < nc)
            def _():
                @pl.when(k >= 2)
                def _():
                    pltpu.make_async_copy(
                        buf, y_hbm.at[0, pl.ds(0, CROWS)], sem).wait()
                    _scatter(buf, qc0 + k - 2, zeros16)

                l, c_lo = _scatter(buf, qc0 + k, ones16)
                pltpu.async_copy(buf, y_hbm.at[l, pl.ds(c_lo, CROWS)], sem)

        return carry

    lax.fori_loop(0, (NC_MAX + 1) // 2, _pair, 0)

    pltpu.make_async_copy(buf0, y_hbm.at[0, pl.ds(0, CROWS)], sem0).wait()
    pltpu.make_async_copy(buf1, y_hbm.at[0, pl.ds(0, CROWS)], sem1).wait()


_onehot_sc = functools.partial(
    pl.kernel,
    mesh=plsc.VectorSubcoreMesh(core_axis_name="c", subcore_axis_name="s"),
    out_type=jax.ShapeDtypeStruct((L, C, B), jnp.float32),
    scratch_types=[
        pltpu.VMEM((TW, B), jnp.int32),
        pltpu.VMEM((CROWS, B), jnp.float32),
        pltpu.VMEM((CROWS, B), jnp.float32),
        pltpu.SemaphoreType.DMA,
        pltpu.SemaphoreType.DMA,
    ],
    compiler_params=pltpu.CompilerParams(needs_layout_passes=False),
)(_onehot_body)


def kernel(t, ones):
    del ones
    t_pad = jnp.pad(jnp.transpose(t.astype(jnp.int32)), ((0, LP - L), (0, 0)))
    z = jnp.zeros((CROWS, B), jnp.float32)
    return jnp.transpose(_onehot_sc(t_pad, z), (2, 1, 0))

# --- scband reference (transcript-rebuilt; emitter-appended) ---
"""Pipeline reference for scband-one-hot-encoder-21363167330893 (READ-ONLY COPY).

The authoritative reference and input builder live on the scoring server;
editing this copy changes nothing except your own understanding.
"""

import jax, jax.numpy as jnp
import numpy as np

N_CLASSES = 1000

def setup_inputs(seed: int = 0) -> dict:
    key = jax.random.key(seed)
    t = jax.random.randint(key, (1024, 50), 0, N_CLASSES, dtype=jnp.int64)
    ones = jnp.eye(N_CLASSES, dtype=jnp.float32)
    return {"t": t, "ones": ones}

def reference(t, ones):
    # Faithful translation of OneHotEncoder.forward
    n_dim = t.ndim  # 2
    orig_shape = t.shape  # (B, L)
    output_size = orig_shape + (N_CLASSES,)
    flat = t.astype(jnp.int64).reshape(-1)
    out = jnp.take(ones, flat, axis=0).reshape(output_size)  # (B, L, C)
    # permute(0, -1, *range(1, n_dim)) -> (0, 2, 1) for n_dim=2
    perm = (0, n_dim) + tuple(range(1, n_dim))
    out = jnp.transpose(out, perm).astype(jnp.float32)  # (B, C, L)
    return out

if __name__ == "__main__":
    import jax
    _d = setup_inputs()
    print(jax.jit(kernel)(*tuple(_d.values())))

</pallas_src>

<mosaic_0001>
#map = affine_map<(d0, d1) -> (0, 0)>
#map1 = affine_map<(d0, d1) -> (0, 0, 0)>
module attributes {stable_mosaic.version = 14 : i64} {
  func.func @_onehot_body(%arg0: i32, %arg1: i32, %arg2: memref<64x1024xi32, #tpu.memory_space<hbm>>, %arg3: memref<40x1024xf32, #tpu.memory_space<hbm>>, %arg4: memref<50x1000x1024xf32, #tpu.memory_space<hbm>>, %arg5: memref<16x1024xi32, #tpu.memory_space<vmem>>, %arg6: memref<40x1024xf32, #tpu.memory_space<vmem>>, %arg7: memref<40x1024xf32, #tpu.memory_space<vmem>>, %arg8: memref<!tpu.dma_semaphore, #tpu.memory_space<semaphore_mem>>, %arg9: memref<!tpu.dma_semaphore, #tpu.memory_space<semaphore_mem>>) attributes {dimension_semantics = [#tpu.dimension_semantics<core_parallel>, #tpu.dimension_semantics<subcore_parallel>], iteration_bounds = array<i64: 2, 16>, scalar_prefetch = 0 : i64, scratch_operands = 5 : i64, tpu.core_type = #tpu.core_type<sc_vector_subcore>, window_params = [{transform_indices = #map}, {transform_indices = #map}, {transform_indices = #map1}]} {
    %mul3A = arith.constant 2 : i32
    %mul3A_0 = arith.muli %arg1, %mul3A : i32
    %add3A = arith.addi %mul3A_0, %arg0 : i32
    %lt3A = arith.constant 2 : i32
    %lt3A_1 = arith.cmpi slt, %add3A, %lt3A : i32
    %jit3A = arith.constant 40 : i32
    %jit3A_2 = arith.constant 39 : i32
    %select_n3A = arith.select %lt3A_1, %jit3A, %jit3A_2 : i32
    %mul3A_3 = arith.constant 39 : i32
    %mul3A_4 = arith.muli %add3A, %mul3A_3 : i32
    %min3A = arith.constant 2 : i32
    %min3A_5 = arith.minsi %add3A, %min3A : i32
    %add3A_6 = arith.addi %mul3A_4, %min3A_5 : i32
    %jit3A_7 = arith.constant 25 : i32
    %div3A = arith.divsi %add3A_6, %jit3A_7 : i32
    %sign3A = arith.constant 0 : i32
    %sign3A_8 = arith.cmpi sgt, %add3A_6, %sign3A : i32
    %sign3A_9 = arith.extui %sign3A_8 : i1 to i32
    %sign3A_10 = arith.constant 0 : i32
    %sign3A_11 = arith.cmpi slt, %add3A_6, %sign3A_10 : i32
    %sign3A_12 = arith.extui %sign3A_11 : i1 to i32
    %sign3A_13 = arith.subi %sign3A_9, %sign3A_12 : i32
    %sign3A_14 = arith.constant 0 : i32
    %sign3A_15 = arith.cmpi sgt, %jit3A_7, %sign3A_14 : i32
    %sign3A_16 = arith.extui %sign3A_15 : i1 to i32
    %sign3A_17 = arith.constant 0 : i32
    %sign3A_18 = arith.cmpi slt, %jit3A_7, %sign3A_17 : i32
    %sign3A_19 = arith.extui %sign3A_18 : i1 to i32
    %sign3A_20 = arith.subi %sign3A_16, %sign3A_19 : i32
    %ne3A = arith.cmpi ne, %sign3A_13, %sign3A_20 : i32
    %rem3A = arith.remsi %add3A_6, %jit3A_7 : i32
    %ne3A_21 = arith.constant 0 : i32
    %ne3A_22 = arith.cmpi ne, %rem3A, %ne3A_21 : i32
    %and3A = arith.andi %ne3A, %ne3A_22 : i1
    %sub3A = arith.constant 1 : i32
    %sub3A_23 = arith.subi %div3A, %sub3A : i32
    %select_n3A_24 = arith.select %and3A, %sub3A_23, %div3A : i32
    %jit3A_25 = arith.constant 8 : i32
    %div3A_26 = arith.divsi %select_n3A_24, %jit3A_25 : i32
    %sign3A_27 = arith.constant 0 : i32
    %sign3A_28 = arith.cmpi sgt, %select_n3A_24, %sign3A_27 : i32
    %sign3A_29 = arith.extui %sign3A_28 : i1 to i32
    %sign3A_30 = arith.constant 0 : i32
    %sign3A_31 = arith.cmpi slt, %select_n3A_24, %sign3A_30 : i32
    %sign3A_32 = arith.extui %sign3A_31 : i1 to i32
    %sign3A_33 = arith.subi %sign3A_29, %sign3A_32 : i32
    %sign3A_34 = arith.constant 0 : i32
    %sign3A_35 = arith.cmpi sgt, %jit3A_25, %sign3A_34 : i32
    %sign3A_36 = arith.extui %sign3A_35 : i1 to i32
    %sign3A_37 = arith.constant 0 : i32
    %sign3A_38 = arith.cmpi slt, %jit3A_25, %sign3A_37 : i32
    %sign3A_39 = arith.extui %sign3A_38 : i1 to i32
    %sign3A_40 = arith.subi %sign3A_36, %sign3A_39 : i32
    %ne3A_41 = arith.cmpi ne, %sign3A_33, %sign3A_40 : i32
    %rem3A_42 = arith.remsi %select_n3A_24, %jit3A_25 : i32
    %ne3A_43 = arith.constant 0 : i32
    %ne3A_44 = arith.cmpi ne, %rem3A_42, %ne3A_43 : i32
    %and3A_45 = arith.andi %ne3A_41, %ne3A_44 : i1
    %sub3A_46 = arith.constant 1 : i32
    %sub3A_47 = arith.subi %div3A_26, %sub3A_46 : i32
    %select_n3A_48 = arith.select %and3A_45, %sub3A_47, %div3A_26 : i32
    %mul3A_49 = arith.constant 8 : i32
    %mul3A_50 = arith.muli %select_n3A_48, %mul3A_49 : i32
    %dma_start3A = arith.constant 0 : i32
    %dma_start3A_51 = tpu.memref_slice %arg2[%mul3A_50, %dma_start3A] : memref<64x1024xi32, #tpu.memory_space<hbm>> -> memref<16x1024xi32, #tpu.memory_space<hbm>>
    %dma_start3A_52 = arith.constant 0 : i32
    %dma_start3A_53 = tpu.memref_slice %arg2[%mul3A_50, %dma_start3A_52] : memref<64x1024xi32, #tpu.memory_space<hbm>> -> memref<16x1024xi32, #tpu.memory_space<hbm>>
    tpu.enqueue_dma source(%dma_start3A_53 : memref<16x1024xi32, #tpu.memory_space<hbm>>) target(%arg5 : memref<16x1024xi32, #tpu.memory_space<vmem>>) target_semaphore(%arg8 : memref<!tpu.dma_semaphore, #tpu.memory_space<semaphore_mem>>)
    tpu.enqueue_dma source(%arg3 : memref<40x1024xf32, #tpu.memory_space<hbm>>) target(%arg6 : memref<40x1024xf32, #tpu.memory_space<vmem>>) target_semaphore(%arg9 : memref<!tpu.dma_semaphore, #tpu.memory_space<semaphore_mem>>)
    tpu.enqueue_dma source(%arg3 : memref<40x1024xf32, #tpu.memory_space<hbm>>) target(%arg7 : memref<40x1024xf32, #tpu.memory_space<vmem>>) target_semaphore(%arg9 : memref<!tpu.dma_semaphore, #tpu.memory_space<semaphore_mem>>)
    %dma_wait3A = arith.constant 0 : i32
    %dma_wait3A_54 = tpu.memref_slice %arg2[%mul3A_50, %dma_wait3A] : memref<64x1024xi32, #tpu.memory_space<hbm>> -> memref<16x1024xi32, #tpu.memory_space<hbm>>
    %dma_wait3A_55 = arith.constant 0 : i32
    %dma_wait3A_56 = tpu.memref_slice %arg2[%mul3A_50, %dma_wait3A_55] : memref<64x1024xi32, #tpu.memory_space<hbm>> -> memref<16x1024xi32, #tpu.memory_space<hbm>>
    tpu.wait_dma2 semaphore(%arg8 : memref<!tpu.dma_semaphore, #tpu.memory_space<semaphore_mem>>) src(%dma_wait3A_56 : memref<16x1024xi32, #tpu.memory_space<hbm>>) dst(%arg5 : memref<16x1024xi32, #tpu.memory_space<vmem>>)
    tpu.wait_dma2 semaphore(%arg9 : memref<!tpu.dma_semaphore, #tpu.memory_space<semaphore_mem>>) src(%arg3 : memref<40x1024xf32, #tpu.memory_space<hbm>>) dst(%arg6 : memref<40x1024xf32, #tpu.memory_space<vmem>>)
    tpu.wait_dma2 semaphore(%arg9 : memref<!tpu.dma_semaphore, #tpu.memory_space<semaphore_mem>>) src(%arg3 : memref<40x1024xf32, #tpu.memory_space<hbm>>) dst(%arg7 : memref<40x1024xf32, #tpu.memory_space<vmem>>)
    %broadcast_in_dim3A = arith.constant 0.000000e+00 : f32
    %broadcast_in_dim3A_57 = vector.broadcast %broadcast_in_dim3A : f32 to vector<16xf32>
    %broadcast_in_dim3A_58 = arith.constant 1.000000e+00 : f32
    %broadcast_in_dim3A_59 = vector.broadcast %broadcast_in_dim3A_58 : f32 to vector<16xf32>
    %iota3A = tpu.iota {dimensions = array<i32: 0>} : vector<16xi32>
    %scan3A = arith.constant 0 : i32
    %scan3A_60 = arith.constant 0 : i32
    %scan3A_61 = arith.constant 20 : i32
    %scan3A_62 = arith.addi %scan3A_60, %scan3A_61 : i32
    %scan3A_63 = arith.constant 1 : i32
    scf.for %scan3A_83 = %scan3A_60 to %scan3A_62 step %scan3A_63  : i32 {
      %mul3A_84 = arith.constant 2 : i32
      %mul3A_85 = arith.muli %scan3A_83, %mul3A_84 : i32
      %add3A_86 = arith.constant 0 : i32
      %add3A_87 = arith.addi %mul3A_85, %add3A_86 : i32
      %lt3A_88 = arith.cmpi slt, %add3A_87, %select_n3A : i32
      %convert_element_type3A = arith.extui %lt3A_88 : i1 to i32
      %cond3A = arith.constant 0 : i32
      %cond3A_89 = arith.cmpi ne, %convert_element_type3A, %cond3A : i32
      scf.if %cond3A_89 {
        %ge3A = arith.constant 2 : i32
        %ge3A_98 = arith.cmpi sge, %add3A_87, %ge3A : i32
        %convert_element_type3A_99 = arith.extui %ge3A_98 : i1 to i32
        %cond3A_100 = arith.constant 0 : i32
        %cond3A_101 = arith.cmpi ne, %convert_element_type3A_99, %cond3A_100 : i32
        scf.if %cond3A_101 {
          %dma_wait3A_144 = arith.constant 0 : i32
          %dma_wait3A_145 = arith.constant 0 : i32
          %dma_wait3A_146 = arith.constant 0 : i32
          %dma_wait3A_147 = tpu.memref_slice %arg4[%dma_wait3A_144, %dma_wait3A_145, %dma_wait3A_146] : memref<50x1000x1024xf32, #tpu.memory_space<hbm>> -> memref<1x40x1024xf32, #tpu.memory_space<hbm>>
          %dma_wait3A_148 = tpu.memref_squeeze %dma_wait3A_147 : memref<1x40x1024xf32, #tpu.memory_space<hbm>> -> memref<40x1024xf32, #tpu.memory_space<hbm>>
          %dma_wait3A_149 = arith.constant 0 : i32
          %dma_wait3A_150 = arith.constant 0 : i32
          %dma_wait3A_151 = tpu.memref_slice %arg4[%dma_wait3A_144, %dma_wait3A_149, %dma_wait3A_150] : memref<50x1000x1024xf32, #tpu.memory_space<hbm>> -> memref<1x40x1024xf32, #tpu.memory_space<hbm>>
          %dma_wait3A_152 = tpu.memref_squeeze %dma_wait3A_151 : memref<1x40x1024xf32, #tpu.memory_space<hbm>> -> memref<40x1024xf32, #tpu.memory_space<hbm>>
          tpu.wait_dma2 semaphore(%arg8 : memref<!tpu.dma_semaphore, #tpu.memory_space<semaphore_mem>>) src(%arg6 : memref<40x1024xf32, #tpu.memory_space<vmem>>) dst(%dma_wait3A_152 : memref<40x1024xf32, #tpu.memory_space<hbm>>)
          %add3A_153 = arith.addi %add3A_6, %add3A_87 : i32
          %sub3A_154 = arith.constant 2 : i32
          %sub3A_155 = arith.subi %add3A_153, %sub3A_154 : i32
          %jit3A_156 = arith.constant 25 : i32
          %div3A_157 = arith.divsi %sub3A_155, %jit3A_156 : i32
          %sign3A_158 = arith.constant 0 : i32
          %sign3A_159 = arith.cmpi sgt, %sub3A_155, %sign3A_158 : i32
          %sign3A_160 = arith.extui %sign3A_159 : i1 to i32
          %sign3A_161 = arith.constant 0 : i32
          %sign3A_162 = arith.cmpi slt, %sub3A_155, %sign3A_161 : i32
          %sign3A_163 = arith.extui %sign3A_162 : i1 to i32
          %sign3A_164 = arith.subi %sign3A_160, %sign3A_163 : i32
          %sign3A_165 = arith.constant 0 : i32
          %sign3A_166 = arith.cmpi sgt, %jit3A_156, %sign3A_165 : i32
          %sign3A_167 = arith.extui %sign3A_166 : i1 to i32
          %sign3A_168 = arith.constant 0 : i32
          %sign3A_169 = arith.cmpi slt, %jit3A_156, %sign3A_168 : i32
          %sign3A_170 = arith.extui %sign3A_169 : i1 to i32
          %sign3A_171 = arith.subi %sign3A_167, %sign3A_170 : i32
          %ne3A_172 = arith.cmpi ne, %sign3A_164, %sign3A_171 : i32
          %rem3A_173 = arith.remsi %sub3A_155, %jit3A_156 : i32
          %ne3A_174 = arith.constant 0 : i32
          %ne3A_175 = arith.cmpi ne, %rem3A_173, %ne3A_174 : i32
          %and3A_176 = arith.andi %ne3A_172, %ne3A_175 : i1
          %sub3A_177 = arith.constant 1 : i32
          %sub3A_178 = arith.subi %div3A_157, %sub3A_177 : i32
          %select_n3A_179 = arith.select %and3A_176, %sub3A_178, %div3A_157 : i32
          %mul3A_180 = arith.constant 25 : i32
          %mul3A_181 = arith.muli %select_n3A_179, %mul3A_180 : i32
          %sub3A_182 = arith.subi %sub3A_155, %mul3A_181 : i32
          %mul3A_183 = arith.constant 40 : i32
          %mul3A_184 = arith.muli %sub3A_182, %mul3A_183 : i32
          %scan3A_185 = arith.constant 0 : i32
          %scan3A_186 = arith.constant 0 : i32
          %scan3A_187 = arith.constant 16 : i32
          %scan3A_188 = arith.addi %scan3A_186, %scan3A_187 : i32
          %scan3A_189 = arith.constant 1 : i32
          scf.for %scan3A_191 = %scan3A_186 to %scan3A_188 step %scan3A_189  : i32 {
            %mul3A_192 = arith.constant 4 : i32
            %mul3A_193 = arith.muli %scan3A_191, %mul3A_192 : i32
            %add3A_194 = arith.constant 0 : i32
            %add3A_195 = arith.addi %mul3A_193, %add3A_194 : i32
            %sub3A_196 = arith.subi %select_n3A_179, %mul3A_50 : i32
            %mul3A_197 = arith.constant 16 : i32
            %mul3A_198 = arith.muli %add3A_195, %mul3A_197 : i32
            %get3A = arith.index_cast %sub3A_196 : i32 to index
            %get3A_199 = arith.index_cast %mul3A_198 : i32 to index
            %get3A_200 = tpu.vector_load %arg5[%get3A, %get3A_199] {strides = array<i32>} : memref<16x1024xi32, #tpu.memory_space<vmem>>, vector<16xi32>,
            %ge3A_201 = vector.broadcast %mul3A_184 : i32 to vector<16xi32>
            %ge3A_202 = arith.cmpi sge, %get3A_200, %ge3A_201 : vector<16xi32>
            %add3A_203 = arith.constant 40 : i32
            %add3A_204 = arith.addi %mul3A_184, %add3A_203 : i32
            %lt3A_205 = vector.broadcast %add3A_204 : i32 to vector<16xi32>
            %lt3A_206 = arith.cmpi slt, %get3A_200, %lt3A_205 : vector<16xi32>
            %and3A_207 = arith.andi %ge3A_202, %lt3A_206 : vector<16xi1>
            %sub3A_208 = vector.broadcast %mul3A_184 : i32 to vector<16xi32>
            %sub3A_209 = arith.subi %get3A_200, %sub3A_208 : vector<16xi32>
            %mul3A_210 = arith.constant 16 : i32
            %mul3A_211 = arith.muli %add3A_195, %mul3A_210 : i32
            %add3A_212 = vector.broadcast %mul3A_211 : i32 to vector<16xi32>
            %add3A_213 = arith.addi %iota3A, %add3A_212 : vector<16xi32>
            tpu.vector_store_idx %arg6[%sub3A_209, %add3A_213], %broadcast_in_dim3A_57 masked %and3A_207 : memref<40x1024xf32, #tpu.memory_space<vmem>>[vector<16xi32>, vector<16xi32>], vector<16xf32>, vector<16xi1>
            %mul3A_214 = arith.constant 4 : i32
            %mul3A_215 = arith.muli %scan3A_191, %mul3A_214 : i32
            %add3A_216 = arith.constant 1 : i32
            %add3A_217 = arith.addi %mul3A_215, %add3A_216 : i32
            %sub3A_218 = arith.subi %select_n3A_179, %mul3A_50 : i32
            %mul3A_219 = arith.constant 16 : i32
            %mul3A_220 = arith.muli %add3A_217, %mul3A_219 : i32
            %get3A_221 = arith.index_cast %sub3A_218 : i32 to index
            %get3A_222 = arith.index_cast %mul3A_220 : i32 to index
            %get3A_223 = tpu.vector_load %arg5[%get3A_221, %get3A_222] {strides = array<i32>} : memref<16x1024xi32, #tpu.memory_space<vmem>>, vector<16xi32>,
            %ge3A_224 = vector.broadcast %mul3A_184 : i32 to vector<16xi32>
            %ge3A_225 = arith.cmpi sge, %get3A_223, %ge3A_224 : vector<16xi32>
            %add3A_226 = arith.constant 40 : i32
            %add3A_227 = arith.addi %mul3A_184, %add3A_226 : i32
            %lt3A_228 = vector.broadcast %add3A_227 : i32 to vector<16xi32>
            %lt3A_229 = arith.cmpi slt, %get3A_223, %lt3A_228 : vector<16xi32>
            %and3A_230 = arith.andi %ge3A_225, %lt3A_229 : vector<16xi1>
            %sub3A_231 = vector.broadcast %mul3A_184 : i32 to vector<16xi32>
            %sub3A_232 = arith.subi %get3A_223, %sub3A_231 : vector<16xi32>
            %mul3A_233 = arith.constant 16 : i32
            %mul3A_234 = arith.muli %add3A_217, %mul3A_233 : i32
            %add3A_235 = vector.broadcast %mul3A_234 : i32 to vector<16xi32>
            %add3A_236 = arith.addi %iota3A, %add3A_235 : vector<16xi32>
            tpu.vector_store_idx %arg6[%sub3A_232, %add3A_236], %broadcast_in_dim3A_57 masked %and3A_230 : memref<40x1024xf32, #tpu.memory_space<vmem>>[vector<16xi32>, vector<16xi32>], vector<16xf32>, vector<16xi1>
            %mul3A_237 = arith.constant 4 : i32
            %mul3A_238 = arith.muli %scan3A_191, %mul3A_237 : i32
            %add3A_239 = arith.constant 2 : i32
            %add3A_240 = arith.addi %mul3A_238, %add3A_239 : i32
            %sub3A_241 = arith.subi %select_n3A_179, %mul3A_50 : i32
            %mul3A_242 = arith.constant 16 : i32
            %mul3A_243 = arith.muli %add3A_240, %mul3A_242 : i32
            %get3A_244 = arith.index_cast %sub3A_241 : i32 to index
            %get3A_245 = arith.index_cast %mul3A_243 : i32 to index
            %get3A_246 = tpu.vector_load %arg5[%get3A_244, %get3A_245] {strides = array<i32>} : memref<16x1024xi32, #tpu.memory_space<vmem>>, vector<16xi32>,
            %ge3A_247 = vector.broadcast %mul3A_184 : i32 to vector<16xi32>
            %ge3A_248 = arith.cmpi sge, %get3A_246, %ge3A_247 : vector<16xi32>
            %add3A_249 = arith.constant 40 : i32
            %add3A_250 = arith.addi %mul3A_184, %add3A_249 : i32
            %lt3A_251 = vector.broadcast %add3A_250 : i32 to vector<16xi32>
            %lt3A_252 = arith.cmpi slt, %get3A_246, %lt3A_251 : vector<16xi32>
            %and3A_253 = arith.andi %ge3A_248, %lt3A_252 : vector<16xi1>
            %sub3A_254 = vector.broadcast %mul3A_184 : i32 to vector<16xi32>
            %sub3A_255 = arith.subi %get3A_246, %sub3A_254 : vector<16xi32>
            %mul3A_256 = arith.constant 16 : i32
            %mul3A_257 = arith.muli %add3A_240, %mul3A_256 : i32
            %add3A_258 = vector.broadcast %mul3A_257 : i32 to vector<16xi32>
            %add3A_259 = arith.addi %iota3A, %add3A_258 : vector<16xi32>
            tpu.vector_store_idx %arg6[%sub3A_255, %add3A_259], %broadcast_in_dim3A_57 masked %and3A_253 : memref<40x1024xf32, #tpu.memory_space<vmem>>[vector<16xi32>, vector<16xi32>], vector<16xf32>, vector<16xi1>
            %mul3A_260 = arith.constant 4 : i32
            %mul3A_261 = arith.muli %scan3A_191, %mul3A_260 : i32
            %add3A_262 = arith.constant 3 : i32
            %add3A_263 = arith.addi %mul3A_261, %add3A_262 : i32
            %sub3A_264 = arith.subi %select_n3A_179, %mul3A_50 : i32
            %mul3A_265 = arith.constant 16 : i32
            %mul3A_266 = arith.muli %add3A_263, %mul3A_265 : i32
            %get3A_267 = arith.index_cast %sub3A_264 : i32 to index
            %get3A_268 = arith.index_cast %mul3A_266 : i32 to index
            %get3A_269 = tpu.vector_load %arg5[%get3A_267, %get3A_268] {strides = array<i32>} : memref<16x1024xi32, #tpu.memory_space<vmem>>, vector<16xi32>,
            %ge3A_270 = vector.broadcast %mul3A_184 : i32 to vector<16xi32>
            %ge3A_271 = arith.cmpi sge, %get3A_269, %ge3A_270 : vector<16xi32>
            %add3A_272 = arith.constant 40 : i32
            %add3A_273 = arith.addi %mul3A_184, %add3A_272 : i32
            %lt3A_274 = vector.broadcast %add3A_273 : i32 to vector<16xi32>
            %lt3A_275 = arith.cmpi slt, %get3A_269, %lt3A_274 : vector<16xi32>
            %and3A_276 = arith.andi %ge3A_271, %lt3A_275 : vector<16xi1>
            %sub3A_277 = vector.broadcast %mul3A_184 : i32 to vector<16xi32>
            %sub3A_278 = arith.subi %get3A_269, %sub3A_277 : vector<16xi32>
            %mul3A_279 = arith.constant 16 : i32
            %mul3A_280 = arith.muli %add3A_263, %mul3A_279 : i32
            %add3A_281 = vector.broadcast %mul3A_280 : i32 to vector<16xi32>
            %add3A_282 = arith.addi %iota3A, %add3A_281 : vector<16xi32>
            tpu.vector_store_idx %arg6[%sub3A_278, %add3A_282], %broadcast_in_dim3A_57 masked %and3A_276 : memref<40x1024xf32, #tpu.memory_space<vmem>>[vector<16xi32>, vector<16xi32>], vector<16xf32>, vector<16xi1>
          }
          %scan3A_190 = arith.constant 16 : i32
        } else {
        }
        %add3A_102 = arith.addi %add3A_6, %add3A_87 : i32
        %jit3A_103 = arith.constant 25 : i32
        %div3A_104 = arith.divsi %add3A_102, %jit3A_103 : i32
        %sign3A_105 = arith.constant 0 : i32
        %sign3A_106 = arith.cmpi sgt, %add3A_102, %sign3A_105 : i32
        %sign3A_107 = arith.extui %sign3A_106 : i1 to i32
        %sign3A_108 = arith.constant 0 : i32
        %sign3A_109 = arith.cmpi slt, %add3A_102, %sign3A_108 : i32
        %sign3A_110 = arith.extui %sign3A_109 : i1 to i32
        %sign3A_111 = arith.subi %sign3A_107, %sign3A_110 : i32
        %sign3A_112 = arith.constant 0 : i32
        %sign3A_113 = arith.cmpi sgt, %jit3A_103, %sign3A_112 : i32
        %sign3A_114 = arith.extui %sign3A_113 : i1 to i32
        %sign3A_115 = arith.constant 0 : i32
        %sign3A_116 = arith.cmpi slt, %jit3A_103, %sign3A_115 : i32
        %sign3A_117 = arith.extui %sign3A_116 : i1 to i32
        %sign3A_118 = arith.subi %sign3A_114, %sign3A_117 : i32
        %ne3A_119 = arith.cmpi ne, %sign3A_111, %sign3A_118 : i32
        %rem3A_120 = arith.remsi %add3A_102, %jit3A_103 : i32
        %ne3A_121 = arith.constant 0 : i32
        %ne3A_122 = arith.cmpi ne, %rem3A_120, %ne3A_121 : i32
        %and3A_123 = arith.andi %ne3A_119, %ne3A_122 : i1
        %sub3A_124 = arith.constant 1 : i32
        %sub3A_125 = arith.subi %div3A_104, %sub3A_124 : i32
        %select_n3A_126 = arith.select %and3A_123, %sub3A_125, %div3A_104 : i32
        %mul3A_127 = arith.constant 25 : i32
        %mul3A_128 = arith.muli %select_n3A_126, %mul3A_127 : i32
        %sub3A_129 = arith.subi %add3A_102, %mul3A_128 : i32
        %mul3A_130 = arith.constant 40 : i32
        %mul3A_131 = arith.muli %sub3A_129, %mul3A_130 : i32
        %scan3A_132 = arith.constant 0 : i32
        %scan3A_133 = arith.constant 0 : i32
        %scan3A_134 = arith.constant 16 : i32
        %scan3A_135 = arith.addi %scan3A_133, %scan3A_134 : i32
        %scan3A_136 = arith.constant 1 : i32
        scf.for %scan3A_144 = %scan3A_133 to %scan3A_135 step %scan3A_136  : i32 {
          %mul3A_145 = arith.constant 4 : i32
          %mul3A_146 = arith.muli %scan3A_144, %mul3A_145 : i32
          %add3A_147 = arith.constant 0 : i32
          %add3A_148 = arith.addi %mul3A_146, %add3A_147 : i32
          %sub3A_149 = arith.subi %select_n3A_126, %mul3A_50 : i32
          %mul3A_150 = arith.constant 16 : i32
          %mul3A_151 = arith.muli %add3A_148, %mul3A_150 : i32
          %get3A = arith.index_cast %sub3A_149 : i32 to index
          %get3A_152 = arith.index_cast %mul3A_151 : i32 to index
          %get3A_153 = tpu.vector_load %arg5[%get3A, %get3A_152] {strides = array<i32>} : memref<16x1024xi32, #tpu.memory_space<vmem>>, vector<16xi32>,
          %ge3A_154 = vector.broadcast %mul3A_131 : i32 to vector<16xi32>
          %ge3A_155 = arith.cmpi sge, %get3A_153, %ge3A_154 : vector<16xi32>
          %add3A_156 = arith.constant 40 : i32
          %add3A_157 = arith.addi %mul3A_131, %add3A_156 : i32
          %lt3A_158 = vector.broadcast %add3A_157 : i32 to vector<16xi32>
          %lt3A_159 = arith.cmpi slt, %get3A_153, %lt3A_158 : vector<16xi32>
          %and3A_160 = arith.andi %ge3A_155, %lt3A_159 : vector<16xi1>
          %sub3A_161 = vector.broadcast %mul3A_131 : i32 to vector<16xi32>
          %sub3A_162 = arith.subi %get3A_153, %sub3A_161 : vector<16xi32>
          %mul3A_163 = arith.constant 16 : i32
          %mul3A_164 = arith.muli %add3A_148, %mul3A_163 : i32
          %add3A_165 = vector.broadcast %mul3A_164 : i32 to vector<16xi32>
          %add3A_166 = arith.addi %iota3A, %add3A_165 : vector<16xi32>
          tpu.vector_store_idx %arg6[%sub3A_162, %add3A_166], %broadcast_in_dim3A_59 masked %and3A_160 : memref<40x1024xf32, #tpu.memory_space<vmem>>[vector<16xi32>, vector<16xi32>], vector<16xf32>, vector<16xi1>
          %mul3A_167 = arith.constant 4 : i32
          %mul3A_168 = arith.muli %scan3A_144, %mul3A_167 : i32
          %add3A_169 = arith.constant 1 : i32
          %add3A_170 = arith.addi %mul3A_168, %add3A_169 : i32
          %sub3A_171 = arith.subi %select_n3A_126, %mul3A_50 : i32
          %mul3A_172 = arith.constant 16 : i32
          %mul3A_173 = arith.muli %add3A_170, %mul3A_172 : i32
          %get3A_174 = arith.index_cast %sub3A_171 : i32 to index
          %get3A_175 = arith.index_cast %mul3A_173 : i32 to index
          %get3A_176 = tpu.vector_load %arg5[%get3A_174, %get3A_175] {strides = array<i32>} : memref<16x1024xi32, #tpu.memory_space<vmem>>, vector<16xi32>,
          %ge3A_177 = vector.broadcast %mul3A_131 : i32 to vector<16xi32>
          %ge3A_178 = arith.cmpi sge, %get3A_176, %ge3A_177 : vector<16xi32>
          %add3A_179 = arith.constant 40 : i32
          %add3A_180 = arith.addi %mul3A_131, %add3A_179 : i32
          %lt3A_181 = vector.broadcast %add3A_180 : i32 to vector<16xi32>
          %lt3A_182 = arith.cmpi slt, %get3A_176, %lt3A_181 : vector<16xi32>
          %and3A_183 = arith.andi %ge3A_178, %lt3A_182 : vector<16xi1>
          %sub3A_184 = vector.broadcast %mul3A_131 : i32 to vector<16xi32>
          %sub3A_185 = arith.subi %get3A_176, %sub3A_184 : vector<16xi32>
          %mul3A_186 = arith.constant 16 : i32
          %mul3A_187 = arith.muli %add3A_170, %mul3A_186 : i32
          %add3A_188 = vector.broadcast %mul3A_187 : i32 to vector<16xi32>
          %add3A_189 = arith.addi %iota3A, %add3A_188 : vector<16xi32>
          tpu.vector_store_idx %arg6[%sub3A_185, %add3A_189], %broadcast_in_dim3A_59 masked %and3A_183 : memref<40x1024xf32, #tpu.memory_space<vmem>>[vector<16xi32>, vector<16xi32>], vector<16xf32>, vector<16xi1>
          %mul3A_190 = arith.constant 4 : i32
          %mul3A_191 = arith.muli %scan3A_144, %mul3A_190 : i32
          %add3A_192 = arith.constant 2 : i32
          %add3A_193 = arith.addi %mul3A_191, %add3A_192 : i32
          %sub3A_194 = arith.subi %select_n3A_126, %mul3A_50 : i32
          %mul3A_195 = arith.constant 16 : i32
          %mul3A_196 = arith.muli %add3A_193, %mul3A_195 : i32
          %get3A_197 = arith.index_cast %sub3A_194 : i32 to index
          %get3A_198 = arith.index_cast %mul3A_196 : i32 to index
          %get3A_199 = tpu.vector_load %arg5[%get3A_197, %get3A_198] {strides = array<i32>} : memref<16x1024xi32, #tpu.memory_space<vmem>>, vector<16xi32>,
          %ge3A_200 = vector.broadcast %mul3A_131 : i32 to vector<16xi32>
          %ge3A_201 = arith.cmpi sge, %get3A_199, %ge3A_200 : vector<16xi32>
          %add3A_202 = arith.constant 40 : i32
          %add3A_203 = arith.addi %mul3A_131, %add3A_202 : i32
          %lt3A_204 = vector.broadcast %add3A_203 : i32 to vector<16xi32>
          %lt3A_205 = arith.cmpi slt, %get3A_199, %lt3A_204 : vector<16xi32>
          %and3A_206 = arith.andi %ge3A_201, %lt3A_205 : vector<16xi1>
          %sub3A_207 = vector.broadcast %mul3A_131 : i32 to vector<16xi32>
          %sub3A_208 = arith.subi %get3A_199, %sub3A_207 : vector<16xi32>
          %mul3A_209 = arith.constant 16 : i32
          %mul3A_210 = arith.muli %add3A_193, %mul3A_209 : i32
          %add3A_211 = vector.broadcast %mul3A_210 : i32 to vector<16xi32>
          %add3A_212 = arith.addi %iota3A, %add3A_211 : vector<16xi32>
          tpu.vector_store_idx %arg6[%sub3A_208, %add3A_212], %broadcast_in_dim3A_59 masked %and3A_206 : memref<40x1024xf32, #tpu.memory_space<vmem>>[vector<16xi32>, vector<16xi32>], vector<16xf32>, vector<16xi1>
          %mul3A_213 = arith.constant 4 : i32
          %mul3A_214 = arith.muli %scan3A_144, %mul3A_213 : i32
          %add3A_215 = arith.constant 3 : i32
          %add3A_216 = arith.addi %mul3A_214, %add3A_215 : i32
          %sub3A_217 = arith.subi %select_n3A_126, %mul3A_50 : i32
          %mul3A_218 = arith.constant 16 : i32
          %mul3A_219 = arith.muli %add3A_216, %mul3A_218 : i32
          %get3A_220 = arith.index_cast %sub3A_217 : i32 to index
          %get3A_221 = arith.index_cast %mul3A_219 : i32 to index
          %get3A_222 = tpu.vector_load %arg5[%get3A_220, %get3A_221] {strides = array<i32>} : memref<16x1024xi32, #tpu.memory_space<vmem>>, vector<16xi32>,
          %ge3A_223 = vector.broadcast %mul3A_131 : i32 to vector<16xi32>
          %ge3A_224 = arith.cmpi sge, %get3A_222, %ge3A_223 : vector<16xi32>
          %add3A_225 = arith.constant 40 : i32
          %add3A_226 = arith.addi %mul3A_131, %add3A_225 : i32
          %lt3A_227 = vector.broadcast %add3A_226 : i32 to vector<16xi32>
          %lt3A_228 = arith.cmpi slt, %get3A_222, %lt3A_227 : vector<16xi32>
          %and3A_229 = arith.andi %ge3A_224, %lt3A_228 : vector<16xi1>
          %sub3A_230 = vector.broadcast %mul3A_131 : i32 to vector<16xi32>
          %sub3A_231 = arith.subi %get3A_222, %sub3A_230 : vector<16xi32>
          %mul3A_232 = arith.constant 16 : i32
          %mul3A_233 = arith.muli %add3A_216, %mul3A_232 : i32
          %add3A_234 = vector.broadcast %mul3A_233 : i32 to vector<16xi32>
          %add3A_235 = arith.addi %iota3A, %add3A_234 : vector<16xi32>
          tpu.vector_store_idx %arg6[%sub3A_231, %add3A_235], %broadcast_in_dim3A_59 masked %and3A_229 : memref<40x1024xf32, #tpu.memory_space<vmem>>[vector<16xi32>, vector<16xi32>], vector<16xf32>, vector<16xi1>
        }
        %scan3A_137 = arith.constant 16 : i32
        %dma_start3A_138 = arith.constant 0 : i32
        %dma_start3A_139 = tpu.memref_slice %arg4[%select_n3A_126, %mul3A_131, %dma_start3A_138] : memref<50x1000x1024xf32, #tpu.memory_space<hbm>> -> memref<1x40x1024xf32, #tpu.memory_space<hbm>>
        %dma_start3A_140 = tpu.memref_squeeze %dma_start3A_139 : memref<1x40x1024xf32, #tpu.memory_space<hbm>> -> memref<40x1024xf32, #tpu.memory_space<hbm>>
        %dma_start3A_141 = arith.constant 0 : i32
        %dma_start3A_142 = tpu.memref_slice %arg4[%select_n3A_126, %mul3A_131, %dma_start3A_141] : memref<50x1000x1024xf32, #tpu.memory_space<hbm>> -> memref<1x40x1024xf32, #tpu.memory_space<hbm>>
        %dma_start3A_143 = tpu.memref_squeeze %dma_start3A_142 : memref<1x40x1024xf32, #tpu.memory_space<hbm>> -> memref<40x1024xf32, #tpu.memory_space<hbm>>
        tpu.enqueue_dma source(%arg6 : memref<40x1024xf32, #tpu.memory_space<vmem>>) target(%dma_start3A_143 : memref<40x1024xf32, #tpu.memory_space<hbm>>) target_semaphore(%arg8 : memref<!tpu.dma_semaphore, #tpu.memory_space<semaphore_mem>>)
      } else {
      }
      %mul3A_90 = arith.constant 2 : i32
      %mul3A_91 = arith.muli %scan3A_83, %mul3A_90 : i32
      %add3A_92 = arith.constant 1 : i32
      %add3A_93 = arith.addi %mul3A_91, %add3A_92 : i32
      %lt3A_94 = arith.cmpi slt, %add3A_93, %select_n3A : i32
      %convert_element_type3A_95 = arith.extui %lt3A_94 : i1 to i32
      %cond3A_96 = arith.constant 0 : i32
      %cond3A_97 = arith.cmpi ne, %convert_element_type3A_95, %cond3A_96 : i32
      scf.if %cond3A_97 {
        %ge3A = arith.constant 2 : i32
        %ge3A_98 = arith.cmpi sge, %add3A_93, %ge3A : i32
        %convert_element_type3A_99 = arith.extui %ge3A_98 : i1 to i32
        %cond3A_100 = arith.constant 0 : i32
        %cond3A_101 = arith.cmpi ne, %convert_element_type3A_99, %cond3A_100 : i32
        scf.if %cond3A_101 {
          %dma_wait3A_144 = arith.constant 0 : i32
          %dma_wait3A_145 = arith.constant 0 : i32
          %dma_wait3A_146 = arith.constant 0 : i32
          %dma_wait3A_147 = tpu.memref_slice %arg4[%dma_wait3A_144, %dma_wait3A_145, %dma_wait3A_146] : memref<50x1000x1024xf32, #tpu.memory_space<hbm>> -> memref<1x40x1024xf32, #tpu.memory_space<hbm>>
          %dma_wait3A_148 = tpu.memref_squeeze %dma_wait3A_147 : memref<1x40x1024xf32, #tpu.memory_space<hbm>> -> memref<40x1024xf32, #tpu.memory_space<hbm>>
          %dma_wait3A_149 = arith.constant 0 : i32
          %dma_wait3A_150 = arith.constant 0 : i32
          %dma_wait3A_151 = tpu.memref_slice %arg4[%dma_wait3A_144, %dma_wait3A_149, %dma_wait3A_150] : memref<50x1000x1024xf32, #tpu.memory_space<hbm>> -> memref<1x40x1024xf32, #tpu.memory_space<hbm>>
          %dma_wait3A_152 = tpu.memref_squeeze %dma_wait3A_151 : memref<1x40x1024xf32, #tpu.memory_space<hbm>> -> memref<40x1024xf32, #tpu.memory_space<hbm>>
          tpu.wait_dma2 semaphore(%arg9 : memref<!tpu.dma_semaphore, #tpu.memory_space<semaphore_mem>>) src(%arg7 : memref<40x1024xf32, #tpu.memory_space<vmem>>) dst(%dma_wait3A_152 : memref<40x1024xf32, #tpu.memory_space<hbm>>)
          %add3A_153 = arith.addi %add3A_6, %add3A_93 : i32
          %sub3A_154 = arith.constant 2 : i32
          %sub3A_155 = arith.subi %add3A_153, %sub3A_154 : i32
          %jit3A_156 = arith.constant 25 : i32
          %div3A_157 = arith.divsi %sub3A_155, %jit3A_156 : i32
          %sign3A_158 = arith.constant 0 : i32
          %sign3A_159 = arith.cmpi sgt, %sub3A_155, %sign3A_158 : i32
          %sign3A_160 = arith.extui %sign3A_159 : i1 to i32
          %sign3A_161 = arith.constant 0 : i32
          %sign3A_162 = arith.cmpi slt, %sub3A_155, %sign3A_161 : i32
          %sign3A_163 = arith.extui %sign3A_162 : i1 to i32
          %sign3A_164 = arith.subi %sign3A_160, %sign3A_163 : i32
          %sign3A_165 = arith.constant 0 : i32
          %sign3A_166 = arith.cmpi sgt, %jit3A_156, %sign3A_165 : i32
          %sign3A_167 = arith.extui %sign3A_166 : i1 to i32
          %sign3A_168 = arith.constant 0 : i32
          %sign3A_169 = arith.cmpi slt, %jit3A_156, %sign3A_168 : i32
          %sign3A_170 = arith.extui %sign3A_169 : i1 to i32
          %sign3A_171 = arith.subi %sign3A_167, %sign3A_170 : i32
          %ne3A_172 = arith.cmpi ne, %sign3A_164, %sign3A_171 : i32
          %rem3A_173 = arith.remsi %sub3A_155, %jit3A_156 : i32
          %ne3A_174 = arith.constant 0 : i32
          %ne3A_175 = arith.cmpi ne, %rem3A_173, %ne3A_174 : i32
          %and3A_176 = arith.andi %ne3A_172, %ne3A_175 : i1
          %sub3A_177 = arith.constant 1 : i32
          %sub3A_178 = arith.subi %div3A_157, %sub3A_177 : i32
          %select_n3A_179 = arith.select %and3A_176, %sub3A_178, %div3A_157 : i32
          %mul3A_180 = arith.constant 25 : i32
          %mul3A_181 = arith.muli %select_n3A_179, %mul3A_180 : i32
          %sub3A_182 = arith.subi %sub3A_155, %mul3A_181 : i32
          %mul3A_183 = arith.constant 40 : i32
          %mul3A_184 = arith.muli %sub3A_182, %mul3A_183 : i32
          %scan3A_185 = arith.constant 0 : i32
          %scan3A_186 = arith.constant 0 : i32
          %scan3A_187 = arith.constant 16 : i32
          %scan3A_188 = arith.addi %scan3A_186, %scan3A_187 : i32
          %scan3A_189 = arith.constant 1 : i32
          scf.for %scan3A_191 = %scan3A_186 to %scan3A_188 step %scan3A_189  : i32 {
            %mul3A_192 = arith.constant 4 : i32
            %mul3A_193 = arith.muli %scan3A_191, %mul3A_192 : i32
            %add3A_194 = arith.constant 0 : i32
            %add3A_195 = arith.addi %mul3A_193, %add3A_194 : i32
            %sub3A_196 = arith.subi %select_n3A_179, %mul3A_50 : i32
            %mul3A_197 = arith.constant 16 : i32
            %mul3A_198 = arith.muli %add3A_195, %mul3A_197 : i32
            %get3A = arith.index_cast %sub3A_196 : i32 to index
            %get3A_199 = arith.index_cast %mul3A_198 : i32 to index
            %get3A_200 = tpu.vector_load %arg5[%get3A, %get3A_199] {strides = array<i32>} : memref<16x1024xi32, #tpu.memory_space<vmem>>, vector<16xi32>,
            %ge3A_201 = vector.broadcast %mul3A_184 : i32 to vector<16xi32>
            %ge3A_202 = arith.cmpi sge, %get3A_200, %ge3A_201 : vector<16xi32>
            %add3A_203 = arith.constant 40 : i32
            %add3A_204 = arith.addi %mul3A_184, %add3A_203 : i32
            %lt3A_205 = vector.broadcast %add3A_204 : i32 to vector<16xi32>
            %lt3A_206 = arith.cmpi slt, %get3A_200, %lt3A_205 : vector<16xi32>
            %and3A_207 = arith.andi %ge3A_202, %lt3A_206 : vector<16xi1>
            %sub3A_208 = vector.broadcast %mul3A_184 : i32 to vector<16xi32>
            %sub3A_209 = arith.subi %get3A_200, %sub3A_208 : vector<16xi32>
            %mul3A_210 = arith.constant 16 : i32
            %mul3A_211 = arith.muli %add3A_195, %mul3A_210 : i32
            %add3A_212 = vector.broadcast %mul3A_211 : i32 to vector<16xi32>
            %add3A_213 = arith.addi %iota3A, %add3A_212 : vector<16xi32>
            tpu.vector_store_idx %arg7[%sub3A_209, %add3A_213], %broadcast_in_dim3A_57 masked %and3A_207 : memref<40x1024xf32, #tpu.memory_space<vmem>>[vector<16xi32>, vector<16xi32>], vector<16xf32>, vector<16xi1>
            %mul3A_214 = arith.constant 4 : i32
            %mul3A_215 = arith.muli %scan3A_191, %mul3A_214 : i32
            %add3A_216 = arith.constant 1 : i32
            %add3A_217 = arith.addi %mul3A_215, %add3A_216 : i32
            %sub3A_218 = arith.subi %select_n3A_179, %mul3A_50 : i32
            %mul3A_219 = arith.constant 16 : i32
            %mul3A_220 = arith.muli %add3A_217, %mul3A_219 : i32
            %get3A_221 = arith.index_cast %sub3A_218 : i32 to index
            %get3A_222 = arith.index_cast %mul3A_220 : i32 to index
            %get3A_223 = tpu.vector_load %arg5[%get3A_221, %get3A_222] {strides = array<i32>} : memref<16x1024xi32, #tpu.memory_space<vmem>>, vector<16xi32>,
            %ge3A_224 = vector.broadcast %mul3A_184 : i32 to vector<16xi32>
            %ge3A_225 = arith.cmpi sge, %get3A_223, %ge3A_224 : vector<16xi32>
            %add3A_226 = arith.constant 40 : i32
            %add3A_227 = arith.addi %mul3A_184, %add3A_226 : i32
            %lt3A_228 = vector.broadcast %add3A_227 : i32 to vector<16xi32>
            %lt3A_229 = arith.cmpi slt, %get3A_223, %lt3A_228 : vector<16xi32>
            %and3A_230 = arith.andi %ge3A_225, %lt3A_229 : vector<16xi1>
            %sub3A_231 = vector.broadcast %mul3A_184 : i32 to vector<16xi32>
            %sub3A_232 = arith.subi %get3A_223, %sub3A_231 : vector<16xi32>
            %mul3A_233 = arith.constant 16 : i32
            %mul3A_234 = arith.muli %add3A_217, %mul3A_233 : i32
            %add3A_235 = vector.broadcast %mul3A_234 : i32 to vector<16xi32>
            %add3A_236 = arith.addi %iota3A, %add3A_235 : vector<16xi32>
            tpu.vector_store_idx %arg7[%sub3A_232, %add3A_236], %broadcast_in_dim3A_57 masked %and3A_230 : memref<40x1024xf32, #tpu.memory_space<vmem>>[vector<16xi32>, vector<16xi32>], vector<16xf32>, vector<16xi1>
            %mul3A_237 = arith.constant 4 : i32
            %mul3A_238 = arith.muli %scan3A_191, %mul3A_237 : i32
            %add3A_239 = arith.constant 2 : i32
            %add3A_240 = arith.addi %mul3A_238, %add3A_239 : i32
            %sub3A_241 = arith.subi %select_n3A_179, %mul3A_50 : i32
            %mul3A_242 = arith.constant 16 : i32
            %mul3A_243 = arith.muli %add3A_240, %mul3A_242 : i32
            %get3A_244 = arith.index_cast %sub3A_241 : i32 to index
            %get3A_245 = arith.index_cast %mul3A_243 : i32 to index
            %get3A_246 = tpu.vector_load %arg5[%get3A_244, %get3A_245] {strides = array<i32>} : memref<16x1024xi32, #tpu.memory_space<vmem>>, vector<16xi32>,
            %ge3A_247 = vector.broadcast %mul3A_184 : i32 to vector<16xi32>
            %ge3A_248 = arith.cmpi sge, %get3A_246, %ge3A_247 : vector<16xi32>
            %add3A_249 = arith.constant 40 : i32
            %add3A_250 = arith.addi %mul3A_184, %add3A_249 : i32
            %lt3A_251 = vector.broadcast %add3A_250 : i32 to vector<16xi32>
            %lt3A_252 = arith.cmpi slt, %get3A_246, %lt3A_251 : vector<16xi32>
            %and3A_253 = arith.andi %ge3A_248, %lt3A_252 : vector<16xi1>
            %sub3A_254 = vector.broadcast %mul3A_184 : i32 to vector<16xi32>
            %sub3A_255 = arith.subi %get3A_246, %sub3A_254 : vector<16xi32>
            %mul3A_256 = arith.constant 16 : i32
            %mul3A_257 = arith.muli %add3A_240, %mul3A_256 : i32
            %add3A_258 = vector.broadcast %mul3A_257 : i32 to vector<16xi32>
            %add3A_259 = arith.addi %iota3A, %add3A_258 : vector<16xi32>
            tpu.vector_store_idx %arg7[%sub3A_255, %add3A_259], %broadcast_in_dim3A_57 masked %and3A_253 : memref<40x1024xf32, #tpu.memory_space<vmem>>[vector<16xi32>, vector<16xi32>], vector<16xf32>, vector<16xi1>
            %mul3A_260 = arith.constant 4 : i32
            %mul3A_261 = arith.muli %scan3A_191, %mul3A_260 : i32
            %add3A_262 = arith.constant 3 : i32
            %add3A_263 = arith.addi %mul3A_261, %add3A_262 : i32
            %sub3A_264 = arith.subi %select_n3A_179, %mul3A_50 : i32
            %mul3A_265 = arith.constant 16 : i32
            %mul3A_266 = arith.muli %add3A_263, %mul3A_265 : i32
            %get3A_267 = arith.index_cast %sub3A_264 : i32 to index
            %get3A_268 = arith.index_cast %mul3A_266 : i32 to index
            %get3A_269 = tpu.vector_load %arg5[%get3A_267, %get3A_268] {strides = array<i32>} : memref<16x1024xi32, #tpu.memory_space<vmem>>, vector<16xi32>,
            %ge3A_270 = vector.broadcast %mul3A_184 : i32 to vector<16xi32>
            %ge3A_271 = arith.cmpi sge, %get3A_269, %ge3A_270 : vector<16xi32>
            %add3A_272 = arith.constant 40 : i32
            %add3A_273 = arith.addi %mul3A_184, %add3A_272 : i32
            %lt3A_274 = vector.broadcast %add3A_273 : i32 to vector<16xi32>
            %lt3A_275 = arith.cmpi slt, %get3A_269, %lt3A_274 : vector<16xi32>
            %and3A_276 = arith.andi %ge3A_271, %lt3A_275 : vector<16xi1>
            %sub3A_277 = vector.broadcast %mul3A_184 : i32 to vector<16xi32>
            %sub3A_278 = arith.subi %get3A_269, %sub3A_277 : vector<16xi32>
            %mul3A_279 = arith.constant 16 : i32
            %mul3A_280 = arith.muli %add3A_263, %mul3A_279 : i32
            %add3A_281 = vector.broadcast %mul3A_280 : i32 to vector<16xi32>
            %add3A_282 = arith.addi %iota3A, %add3A_281 : vector<16xi32>
            tpu.vector_store_idx %arg7[%sub3A_278, %add3A_282], %broadcast_in_dim3A_57 masked %and3A_276 : memref<40x1024xf32, #tpu.memory_space<vmem>>[vector<16xi32>, vector<16xi32>], vector<16xf32>, vector<16xi1>
          }
          %scan3A_190 = arith.constant 16 : i32
        } else {
        }
        %add3A_102 = arith.addi %add3A_6, %add3A_93 : i32
        %jit3A_103 = arith.constant 25 : i32
        %div3A_104 = arith.divsi %add3A_102, %jit3A_103 : i32
        %sign3A_105 = arith.constant 0 : i32
        %sign3A_106 = arith.cmpi sgt, %add3A_102, %sign3A_105 : i32
        %sign3A_107 = arith.extui %sign3A_106 : i1 to i32
        %sign3A_108 = arith.constant 0 : i32
        %sign3A_109 = arith.cmpi slt, %add3A_102, %sign3A_108 : i32
        %sign3A_110 = arith.extui %sign3A_109 : i1 to i32
        %sign3A_111 = arith.subi %sign3A_107, %sign3A_110 : i32
        %sign3A_112 = arith.constant 0 : i32
        %sign3A_113 = arith.cmpi sgt, %jit3A_103, %sign3A_112 : i32
        %sign3A_114 = arith.extui %sign3A_113 : i1 to i32
        %sign3A_115 = arith.constant 0 : i32
        %sign3A_116 = arith.cmpi slt, %jit3A_103, %sign3A_115 : i32
        %sign3A_117 = arith.extui %sign3A_116 : i1 to i32
        %sign3A_118 = arith.subi %sign3A_114, %sign3A_117 : i32
        %ne3A_119 = arith.cmpi ne, %sign3A_111, %sign3A_118 : i32
        %rem3A_120 = arith.remsi %add3A_102, %jit3A_103 : i32
        %ne3A_121 = arith.constant 0 : i32
        %ne3A_122 = arith.cmpi ne, %rem3A_120, %ne3A_121 : i32
        %and3A_123 = arith.andi %ne3A_119, %ne3A_122 : i1
        %sub3A_124 = arith.constant 1 : i32
        %sub3A_125 = arith.subi %div3A_104, %sub3A_124 : i32
        %select_n3A_126 = arith.select %and3A_123, %sub3A_125, %div3A_104 : i32
        %mul3A_127 = arith.constant 25 : i32
        %mul3A_128 = arith.muli %select_n3A_126, %mul3A_127 : i32
        %sub3A_129 = arith.subi %add3A_102, %mul3A_128 : i32
        %mul3A_130 = arith.constant 40 : i32
        %mul3A_131 = arith.muli %sub3A_129, %mul3A_130 : i32
        %scan3A_132 = arith.constant 0 : i32
        %scan3A_133 = arith.constant 0 : i32
        %scan3A_134 = arith.constant 16 : i32
        %scan3A_135 = arith.addi %scan3A_133, %scan3A_134 : i32
        %scan3A_136 = arith.constant 1 : i32
        scf.for %scan3A_144 = %scan3A_133 to %scan3A_135 step %scan3A_136  : i32 {
          %mul3A_145 = arith.constant 4 : i32
          %mul3A_146 = arith.muli %scan3A_144, %mul3A_145 : i32
          %add3A_147 = arith.constant 0 : i32
          %add3A_148 = arith.addi %mul3A_146, %add3A_147 : i32
          %sub3A_149 = arith.subi %select_n3A_126, %mul3A_50 : i32
          %mul3A_150 = arith.constant 16 : i32
          %mul3A_151 = arith.muli %add3A_148, %mul3A_150 : i32
          %get3A = arith.index_cast %sub3A_149 : i32 to index
          %get3A_152 = arith.index_cast %mul3A_151 : i32 to index
          %get3A_153 = tpu.vector_load %arg5[%get3A, %get3A_152] {strides = array<i32>} : memref<16x1024xi32, #tpu.memory_space<vmem>>, vector<16xi32>,
          %ge3A_154 = vector.broadcast %mul3A_131 : i32 to vector<16xi32>
          %ge3A_155 = arith.cmpi sge, %get3A_153, %ge3A_154 : vector<16xi32>
          %add3A_156 = arith.constant 40 : i32
          %add3A_157 = arith.addi %mul3A_131, %add3A_156 : i32
          %lt3A_158 = vector.broadcast %add3A_157 : i32 to vector<16xi32>
          %lt3A_159 = arith.cmpi slt, %get3A_153, %lt3A_158 : vector<16xi32>
          %and3A_160 = arith.andi %ge3A_155, %lt3A_159 : vector<16xi1>
          %sub3A_161 = vector.broadcast %mul3A_131 : i32 to vector<16xi32>
          %sub3A_162 = arith.subi %get3A_153, %sub3A_161 : vector<16xi32>
          %mul3A_163 = arith.constant 16 : i32
          %mul3A_164 = arith.muli %add3A_148, %mul3A_163 : i32
          %add3A_165 = vector.broadcast %mul3A_164 : i32 to vector<16xi32>
          %add3A_166 = arith.addi %iota3A, %add3A_165 : vector<16xi32>
          tpu.vector_store_idx %arg7[%sub3A_162, %add3A_166], %broadcast_in_dim3A_59 masked %and3A_160 : memref<40x1024xf32, #tpu.memory_space<vmem>>[vector<16xi32>, vector<16xi32>], vector<16xf32>, vector<16xi1>
          %mul3A_167 = arith.constant 4 : i32
          %mul3A_168 = arith.muli %scan3A_144, %mul3A_167 : i32
          %add3A_169 = arith.constant 1 : i32
          %add3A_170 = arith.addi %mul3A_168, %add3A_169 : i32
          %sub3A_171 = arith.subi %select_n3A_126, %mul3A_50 : i32
          %mul3A_172 = arith.constant 16 : i32
          %mul3A_173 = arith.muli %add3A_170, %mul3A_172 : i32
          %get3A_174 = arith.index_cast %sub3A_171 : i32 to index
          %get3A_175 = arith.index_cast %mul3A_173 : i32 to index
          %get3A_176 = tpu.vector_load %arg5[%get3A_174, %get3A_175] {strides = array<i32>} : memref<16x1024xi32, #tpu.memory_space<vmem>>, vector<16xi32>,
          %ge3A_177 = vector.broadcast %mul3A_131 : i32 to vector<16xi32>
          %ge3A_178 = arith.cmpi sge, %get3A_176, %ge3A_177 : vector<16xi32>
          %add3A_179 = arith.constant 40 : i32
          %add3A_180 = arith.addi %mul3A_131, %add3A_179 : i32
          %lt3A_181 = vector.broadcast %add3A_180 : i32 to vector<16xi32>
          %lt3A_182 = arith.cmpi slt, %get3A_176, %lt3A_181 : vector<16xi32>
          %and3A_183 = arith.andi %ge3A_178, %lt3A_182 : vector<16xi1>
          %sub3A_184 = vector.broadcast %mul3A_131 : i32 to vector<16xi32>
          %sub3A_185 = arith.subi %get3A_176, %sub3A_184 : vector<16xi32>
          %mul3A_186 = arith.constant 16 : i32
          %mul3A_187 = arith.muli %add3A_170, %mul3A_186 : i32
          %add3A_188 = vector.broadcast %mul3A_187 : i32 to vector<16xi32>
          %add3A_189 = arith.addi %iota3A, %add3A_188 : vector<16xi32>
          tpu.vector_store_idx %arg7[%sub3A_185, %add3A_189], %broadcast_in_dim3A_59 masked %and3A_183 : memref<40x1024xf32, #tpu.memory_space<vmem>>[vector<16xi32>, vector<16xi32>], vector<16xf32>, vector<16xi1>
          %mul3A_190 = arith.constant 4 : i32
          %mul3A_191 = arith.muli %scan3A_144, %mul3A_190 : i32
          %add3A_192 = arith.constant 2 : i32
          %add3A_193 = arith.addi %mul3A_191, %add3A_192 : i32
          %sub3A_194 = arith.subi %select_n3A_126, %mul3A_50 : i32
          %mul3A_195 = arith.constant 16 : i32
          %mul3A_196 = arith.muli %add3A_193, %mul3A_195 : i32
          %get3A_197 = arith.index_cast %sub3A_194 : i32 to index
          %get3A_198 = arith.index_cast %mul3A_196 : i32 to index
          %get3A_199 = tpu.vector_load %arg5[%get3A_197, %get3A_198] {strides = array<i32>} : memref<16x1024xi32, #tpu.memory_space<vmem>>, vector<16xi32>,
          %ge3A_200 = vector.broadcast %mul3A_131 : i32 to vector<16xi32>
          %ge3A_201 = arith.cmpi sge, %get3A_199, %ge3A_200 : vector<16xi32>
          %add3A_202 = arith.constant 40 : i32
          %add3A_203 = arith.addi %mul3A_131, %add3A_202 : i32
          %lt3A_204 = vector.broadcast %add3A_203 : i32 to vector<16xi32>
          %lt3A_205 = arith.cmpi slt, %get3A_199, %lt3A_204 : vector<16xi32>
          %and3A_206 = arith.andi %ge3A_201, %lt3A_205 : vector<16xi1>
          %sub3A_207 = vector.broadcast %mul3A_131 : i32 to vector<16xi32>
          %sub3A_208 = arith.subi %get3A_199, %sub3A_207 : vector<16xi32>
          %mul3A_209 = arith.constant 16 : i32
          %mul3A_210 = arith.muli %add3A_193, %mul3A_209 : i32
          %add3A_211 = vector.broadcast %mul3A_210 : i32 to vector<16xi32>
          %add3A_212 = arith.addi %iota3A, %add3A_211 : vector<16xi32>
          tpu.vector_store_idx %arg7[%sub3A_208, %add3A_212], %broadcast_in_dim3A_59 masked %and3A_206 : memref<40x1024xf32, #tpu.memory_space<vmem>>[vector<16xi32>, vector<16xi32>], vector<16xf32>, vector<16xi1>
          %mul3A_213 = arith.constant 4 : i32
          %mul3A_214 = arith.muli %scan3A_144, %mul3A_213 : i32
          %add3A_215 = arith.constant 3 : i32
          %add3A_216 = arith.addi %mul3A_214, %add3A_215 : i32
          %sub3A_217 = arith.subi %select_n3A_126, %mul3A_50 : i32
          %mul3A_218 = arith.constant 16 : i32
          %mul3A_219 = arith.muli %add3A_216, %mul3A_218 : i32
          %get3A_220 = arith.index_cast %sub3A_217 : i32 to index
          %get3A_221 = arith.index_cast %mul3A_219 : i32 to index
          %get3A_222 = tpu.vector_load %arg5[%get3A_220, %get3A_221] {strides = array<i32>} : memref<16x1024xi32, #tpu.memory_space<vmem>>, vector<16xi32>,
          %ge3A_223 = vector.broadcast %mul3A_131 : i32 to vector<16xi32>
          %ge3A_224 = arith.cmpi sge, %get3A_222, %ge3A_223 : vector<16xi32>
          %add3A_225 = arith.constant 40 : i32
          %add3A_226 = arith.addi %mul3A_131, %add3A_225 : i32
          %lt3A_227 = vector.broadcast %add3A_226 : i32 to vector<16xi32>
          %lt3A_228 = arith.cmpi slt, %get3A_222, %lt3A_227 : vector<16xi32>
          %and3A_229 = arith.andi %ge3A_224, %lt3A_228 : vector<16xi1>
          %sub3A_230 = vector.broadcast %mul3A_131 : i32 to vector<16xi32>
          %sub3A_231 = arith.subi %get3A_222, %sub3A_230 : vector<16xi32>
          %mul3A_232 = arith.constant 16 : i32
          %mul3A_233 = arith.muli %add3A_216, %mul3A_232 : i32
          %add3A_234 = vector.broadcast %mul3A_233 : i32 to vector<16xi32>
          %add3A_235 = arith.addi %iota3A, %add3A_234 : vector<16xi32>
          tpu.vector_store_idx %arg7[%sub3A_231, %add3A_235], %broadcast_in_dim3A_59 masked %and3A_229 : memref<40x1024xf32, #tpu.memory_space<vmem>>[vector<16xi32>, vector<16xi32>], vector<16xf32>, vector<16xi1>
        }
        %scan3A_137 = arith.constant 16 : i32
        %dma_start3A_138 = arith.constant 0 : i32
        %dma_start3A_139 = tpu.memref_slice %arg4[%select_n3A_126, %mul3A_131, %dma_start3A_138] : memref<50x1000x1024xf32, #tpu.memory_space<hbm>> -> memref<1x40x1024xf32, #tpu.memory_space<hbm>>
        %dma_start3A_140 = tpu.memref_squeeze %dma_start3A_139 : memref<1x40x1024xf32, #tpu.memory_space<hbm>> -> memref<40x1024xf32, #tpu.memory_space<hbm>>
        %dma_start3A_141 = arith.constant 0 : i32
        %dma_start3A_142 = tpu.memref_slice %arg4[%select_n3A_126, %mul3A_131, %dma_start3A_141] : memref<50x1000x1024xf32, #tpu.memory_space<hbm>> -> memref<1x40x1024xf32, #tpu.memory_space<hbm>>
        %dma_start3A_143 = tpu.memref_squeeze %dma_start3A_142 : memref<1x40x1024xf32, #tpu.memory_space<hbm>> -> memref<40x1024xf32, #tpu.memory_space<hbm>>
        tpu.enqueue_dma source(%arg7 : memref<40x1024xf32, #tpu.memory_space<vmem>>) target(%dma_start3A_143 : memref<40x1024xf32, #tpu.memory_space<hbm>>) target_semaphore(%arg9 : memref<!tpu.dma_semaphore, #tpu.memory_space<semaphore_mem>>)
      } else {
      }
    }
    %scan3A_64 = arith.constant 20 : i32
    %dma_wait3A_65 = arith.constant 0 : i32
    %dma_wait3A_66 = arith.constant 0 : i32
    %dma_wait3A_67 = arith.constant 0 : i32
    %dma_wait3A_68 = tpu.memref_slice %arg4[%dma_wait3A_65, %dma_wait3A_66, %dma_wait3A_67] : memref<50x1000x1024xf32, #tpu.memory_space<hbm>> -> memref<1x40x1024xf32, #tpu.memory_space<hbm>>
    %dma_wait3A_69 = tpu.memref_squeeze %dma_wait3A_68 : memref<1x40x1024xf32, #tpu.memory_space<hbm>> -> memref<40x1024xf32, #tpu.memory_space<hbm>>
    %dma_wait3A_70 = arith.constant 0 : i32
    %dma_wait3A_71 = arith.constant 0 : i32
    %dma_wait3A_72 = tpu.memref_slice %arg4[%dma_wait3A_65, %dma_wait3A_70, %dma_wait3A_71] : memref<50x1000x1024xf32, #tpu.memory_space<hbm>> -> memref<1x40x1024xf32, #tpu.memory_space<hbm>>
    %dma_wait3A_73 = tpu.memref_squeeze %dma_wait3A_72 : memref<1x40x1024xf32, #tpu.memory_space<hbm>> -> memref<40x1024xf32, #tpu.memory_space<hbm>>
    tpu.wait_dma2 semaphore(%arg8 : memref<!tpu.dma_semaphore, #tpu.memory_space<semaphore_mem>>) src(%arg6 : memref<40x1024xf32, #tpu.memory_space<vmem>>) dst(%dma_wait3A_73 : memref<40x1024xf32, #tpu.memory_space<hbm>>)
    %dma_wait3A_74 = arith.constant 0 : i32
    %dma_wait3A_75 = arith.constant 0 : i32
    %dma_wait3A_76 = arith.constant 0 : i32
    %dma_wait3A_77 = tpu.memref_slice %arg4[%dma_wait3A_74, %dma_wait3A_75, %dma_wait3A_76] : memref<50x1000x1024xf32, #tpu.memory_space<hbm>> -> memref<1x40x1024xf32, #tpu.memory_space<hbm>>
    %dma_wait3A_78 = tpu.memref_squeeze %dma_wait3A_77 : memref<1x40x1024xf32, #tpu.memory_space<hbm>> -> memref<40x1024xf32, #tpu.memory_space<hbm>>
    %dma_wait3A_79 = arith.constant 0 : i32
    %dma_wait3A_80 = arith.constant 0 : i32
    %dma_wait3A_81 = tpu.memref_slice %arg4[%dma_wait3A_74, %dma_wait3A_79, %dma_wait3A_80] : memref<50x1000x1024xf32, #tpu.memory_space<hbm>> -> memref<1x40x1024xf32, #tpu.memory_space<hbm>>
    %dma_wait3A_82 = tpu.memref_squeeze %dma_wait3A_81 : memref<1x40x1024xf32, #tpu.memory_space<hbm>> -> memref<40x1024xf32, #tpu.memory_space<hbm>>
    tpu.wait_dma2 semaphore(%arg9 : memref<!tpu.dma_semaphore, #tpu.memory_space<semaphore_mem>>) src(%arg7 : memref<40x1024xf32, #tpu.memory_space<vmem>>) dst(%dma_wait3A_82 : memref<40x1024xf32, #tpu.memory_space<hbm>>)
    return
  }
}

</mosaic_0001>

<sc_bundles>
// kernel: kernel.3.cloned.1.call-start
scs
__scs_entry_jumppad:
0x0: {  	(pc) =	sbr.rel $0x88, $3  }
0x1: {  	(tag) =	ssettag $0x0;
	lr =	simm.s32 $0x1  }
0x2: {  	[smem:$0x3FA0] =	sst lr;
	_ =	strace $0xD0000000  }
0x3: {  	_ = 	snop  }
0x4: {  	_ = 	snop  }
0x5: {  	_ = 	snop  }
0x6: {  	_ = 	snop  }
0x7: {  	_ = 	snop  }
__scs_overlays_trampoline_lowered:
0x8: {  	[smem:$0x3FAF] =	sst s0  }
0x9: {  	[smem:$0x3FB0] =	sst s1  }
0xa: {  	[smem:$0x3FB1] =	sst s2  }
0xb: {  	[smem:$0x3FB2] =	sst s3  }
0xc: {  	[smem:$0x3FB3] =	sst s4  }
0xd: {  	[smem:$0x3FB4] =	sst s5  }
0xe: {  	[smem:$0x3FB5] =	sst s6  }
0xf: {  	[smem:$0x3FB6] =	sst s7  }
0x10: {  	[smem:$0x3FB7] =	sst s8  }
0x11: {  	[smem:$0x3FB8] =	sst s9;
	s0 =	simm.s32 @!p0 $0x0  }
0x12: {  	s1 =	sld [smem:$0x3F9E];
	s0 =	simm.s32 @p0 $0x1  }
0x13: {  	[smem:$0x3FB9] =	sst s0;
	s0 =	simm.s32 @!p1 $0x0  }
0x14: {  	s2 =	sld [smem:$0x3F9D];
	s0 =	simm.s32 @p1 $0x1  }
0x15: {  	[smem:$0x3FBA] =	sst s0;
	s0 =	simm.s32 @!p2 $0x0  }
0x16: {  	s3 =	sld [smem:$0x3FDB];
	s0 =	simm.s32 @p2 $0x1  }
0x17: {  	s4 =	simm.s32 $0x1BF5;
	[smem:$0x3FBC] =	sst s0  }
0x18: {  	s0 =	sld [smem:$0x3F9F];
	_ =	swait.ge [sflag:s4], $0x0  }
0x19: {  	s7 =	sld [smem:$0x3FA0]  }
0x1a: {  	s8 =	sadd.s32 $0xFFFFE003, lr  }
0x1b: {  	s9 =	sadd.s32 $0xFFFFFEF7, lr;
	s5 =	simm.s32 $0xFFFFFFFF;
	p2 =	slt.u32 s8, $0xFFFFF086  }
0x1c: {  	p1 =	slt.u32 s9, $0xF7A;
	s5 =	simm.s32 @!p2 $0x0  }
0x1d: {  	s5 =	simm.s32 @p1 $0x1;
	p0 =	seq.s32 s7, s2  }
0x1e: {  	s7 =	smul.u32 @!p0 $0xF7A, s2;
	p2 =	seq.s32 @!p0 s5, $0x0  }
0x1f: {  	s9 =	smul.u32 $0xF7A, s1;
	s8 =	simm.s32 @!p0 $0x1BF5;
	p2 =	por !p2, p0  }
0x20: {  	[sflag:s8] =	ssyncset.s32 @!p0 $0xFFFFF086;
	s6 =	sadd.s32 @!p0 s3, s7;
	s7 =	simm.s32 @!p0 $0x108  }
0x21: {  	s3 =	sadd.s32 s3, s9;
	s6 =	sadd.s32 @!p0 $0x88, s6;
	s7 =	simm.s32 @p2 $0x1082  }
0x22: {  	[simem:s7], [sflag:s8] =	dma.local @!p0 [hbm:s6], $0xF7A  }
0x23: {  	s9 =	sor.u32 $0xD0000000, s2;
	s6 =	simm.s32 $0x108;
	_ =	swait.ge @!p0 [sflag:s8], $0x0  }
0x24: {  	s3 =	sadd.s32 $0x88, s3;
	s6 =	simm.s32 @!p1 $0x1082;
	[sflag:s4] =	ssyncset.s32 $0xFFFFF086  }
0x25: {  	[simem:s6], [sflag:s4] =	dma.local [hbm:s3], $0xF7A  }
0x26: {  	[smem:$0x3FA0] =	sst s1;
	(tag) =	ssettag s2;
	_ =	strace s9  }
0x27: {  	s1 =	sld [smem:$0x3FB0]  }
0x28: {  	s2 =	sld [smem:$0x3FB1]  }
0x29: {  	s4 =	sld [smem:$0x3FB3]  }
0x2a: {  	p0 =	seq.s32 s5, $0x0;
	s5 =	sld [smem:$0x3FB4]  }
0x2b: {  	s6 =	sld [smem:$0x3FB5]  }
0x2c: {  	s7 =	sld [smem:$0x3FB6]  }
0x2d: {  	s3 =	simm.s32 $0x108;
	s8 =	sld [smem:$0x3FB7]  }
0x2e: {  	s3 =	simm.s32 @!p0 $0x1082;
	s9 =	sld [smem:$0x3FB8]  }
0x2f: {  	lr =	sadd.s32 s0, s3;
	s0 =	sld [smem:$0x3FAF]  }
0x30: {  	s3 =	sld [smem:$0x3FB2]  }
0x31: {  	[smem:$0x3FBB] =	sst s10  }
0x32: {  	s10 =	sld [smem:$0x3FB9];
	_ =	sdelay $0x3  }
0x33: {  	p0 =	seq.s32 s10, $0x1;
	s10 =	sld [smem:$0x3FBB];
	_ =	sdelay $0x3  }
0x34: {  	[smem:$0x3FBB] =	sst s10  }
0x35: {  	s10 =	sld [smem:$0x3FBA];
	_ =	sdelay $0x3  }
0x36: {  	p1 =	seq.s32 s10, $0x1;
	s10 =	sld [smem:$0x3FBB];
	_ =	sdelay $0x3  }
0x37: {  	[smem:$0x3FBB] =	sst s10  }
0x38: {  	s10 =	sld [smem:$0x3FBC]  }
0x39: {  	_ = 	snop;
	(pc) =	sbr.ind lr, $3  }
0x3a: {  	_ = 	snop  }
0x3b: {  	_ = 	snop  }
0x3c: {  	p2 =	seq.s32 s10, $0x1;
	s10 =	sld [smem:$0x3FBB]  }
0x3d: {  	_ =	shalt  }
0x3e: {  	_ =	shalt  }
0x3f: {  	_ =	shalt  }
0x40: {  	_ =	shalt  }
0x41: {  	_ =	shalt  }
0x42: {  	_ =	shalt  }
0x43: {  	_ =	shalt  }
0x44: {  	_ =	shalt  }
0x45: {  	_ =	shalt  }
0x46: {  	_ =	shalt  }
0x47: {  	_ =	shalt  }
0x48: {  	_ =	shalt  }
0x49: {  	_ =	shalt  }
0x4a: {  	_ =	shalt  }
0x4b: {  	_ =	shalt  }
0x4c: {  	_ =	shalt  }
0x4d: {  	_ =	shalt  }
0x4e: {  	_ =	shalt  }
0x4f: {  	_ =	shalt  }
0x50: {  	_ =	shalt  }
0x51: {  	_ =	shalt  }
0x52: {  	_ =	shalt  }
0x53: {  	_ =	shalt  }
0x54: {  	_ =	shalt  }
0x55: {  	_ =	shalt  }
0x56: {  	_ =	shalt  }
0x57: {  	_ =	shalt  }
0x58: {  	_ =	shalt  }
0x59: {  	_ =	shalt  }
0x5a: {  	_ =	shalt  }
0x5b: {  	_ =	shalt  }
0x5c: {  	_ =	shalt  }
0x5d: {  	_ =	shalt  }
0x5e: {  	_ =	shalt  }
0x5f: {  	_ =	shalt  }
0x60: {  	_ =	shalt  }
0x61: {  	_ =	shalt  }
0x62: {  	_ =	shalt  }
0x63: {  	_ =	shalt  }
0x64: {  	_ =	shalt  }
0x65: {  	_ =	shalt  }
0x66: {  	_ =	shalt  }
0x67: {  	_ =	shalt  }
0x68: {  	_ =	shalt  }
0x69: {  	_ =	shalt  }
0x6a: {  	_ =	shalt  }
0x6b: {  	_ =	shalt  }
0x6c: {  	_ =	shalt  }
0x6d: {  	_ =	shalt  }
0x6e: {  	_ =	shalt  }
0x6f: {  	_ =	shalt  }
0x70: {  	_ =	shalt  }
0x71: {  	_ =	shalt  }
0x72: {  	_ =	shalt  }
0x73: {  	_ =	shalt  }
0x74: {  	_ =	shalt  }
0x75: {  	_ =	shalt  }
0x76: {  	_ =	shalt  }
0x77: {  	_ =	shalt  }
0x78: {  	_ =	shalt  }
0x79: {  	_ =	shalt  }
0x7a: {  	_ =	shalt  }
0x7b: {  	_ =	shalt  }
0x7c: {  	_ =	shalt  }
0x7d: {  	_ =	shalt  }
0x7e: {  	_ =	shalt  }
0x7f: {  	_ =	shalt  }
0x80: {  	_ =	shalt  }
0x81: {  	_ =	shalt  }
0x82: {  	_ =	shalt  }
0x83: {  	_ =	shalt  }
0x84: {  	_ =	shalt  }
0x85: {  	_ =	shalt  }
0x86: {  	_ =	shalt  }
0x87: {  	_ =	shalt  }
.Lfunc_end0:
.L_simem_size_0:
called_computation_lowered:
.L_overlay_start_0:
0x88: {  	s2 =	sld [smem:$0x3FD9]  }
0x89: {  	s3 =	sld [smem:$0x3FFE];
	_ =	sdelay $0x1  }
0x8a: {  	s1 =	srdreg.scid  }
0x8b: {  	s0 =	sand.u32 $0x1, s1  }
0x8c: {  	s17 =	sshll.u32 s0, $0xA;
	s2 =	sadd.s32 s3, s2  }
0x8d: {  	s2 =	sadd.s32 s2, s17  }
0x8e: {  	[smem:$0x3FC7] =	sst s2  }
0x8f: {  	_ = 	snop  }
0x90: {  	s2 =	sld [smem:$0x3FD0];
	(tm) =	ssettm $0x1  }
0x91: {  	s18 =	sld [smem:$0x3FFB];
	_ =	sdelay $0x3  }
0x92: {  	_ =	strace s18  }
0x93: {  	s3 =	sld [smem:$0x3FFC];
	_ =	sdelay $0x3  }
0x94: {  	_ =	strace s3  }
0x95: {  	s3 =	sld [smem:$0x3FFD];
	_ =	sdelay $0x3  }
0x96: {  	_ =	strace s3  }
0x97: {  	_ =	strace $0x8FFFFFFF  }
0x98: {  	s19 =	sld [smem:$0x3FDB];
	_ =	sdelay $0x1  }
0x99: {  	s4 =	simm.s32 $_scs_section_size  }
0x9a: {  	s5 =	simm.s32 $_size__tile_overlayer_lowered;
	s6 =	simm.s32 $_tile_overlayer_lowered  }
0x9b: {  	s22 =	simm.s32 $0x1BFF;
	s21 =	sshll.u32 s6, $0x1;
	s3 =	sadd.s32 s4, s19  }
0x9c: {  	s7 =	simm.s32 $0x0;
	s20 =	sshll.u32 s5, $0x1;
	s5 =	sadd.s32 s21, s3  }
0x9d: {  	[timem:s7], [sflag:s22] =	dma.local [hbm:s5], s20  }
0x9e: {  	_ =	swait.ge [sflag:s22], s20  }
0x9f: {  	s4 =	ssub.s32 $0x0, s20;
	[sflag:s22] =	ssyncset.done $0x0  }
0xa0: {  	[sflag:s22] =	ssyncadd.s32 s4;
	_ =	sdelay $0x1  }
0xa1: {  	s23 =	simm.s32 $0x1B8B  }
0xa2: {  	_ =	swait.ge [sflag:s23], $0x1  }
0xa3: {  	[sflag:s23] =	ssyncset.done $0x0  }
0xa4: {  	s25 =	simm.s32 $0x1B8E;
	s24 =	sld [smem:$0x3FFE];
	[sflag:s23] =	ssyncadd.s32 $0xFFFFFFFF  }
0xa5: {  	s26 =	simm.s32 $execute0_lowered;
	[smem:$0x3FD2] =	sst s25  }
0xa6: {  	s5 =	sshll.u32 s26, $0x1;
	_ =	strace $0x80000046;
	[dreg:$0x1] =	wrdreg $0xFFFFFFFF  }
0xa7: {  	s28 =	simm.s32 $_size_execute0_lowered;
	s3 =	sadd.s32 s3, s5;
	[dreg:$0x0] =	wrdreg $0x0  }
0xa8: {  	s5 =	sshll.u32 s28, $0x1;
	[dreg:$0x2] =	wrdreg s3  }
0xa9: {  	[dreg:$0x3] =	wrdreg s5  }
0xaa: {  	[dreg:$0x4] =	wrdreg $0xC0  }
0xab: {  	_ =	task [dreg:s7], $0x5FFFF  }
0xac: {  	[dreg:$0x1] =	wrdreg $0xFFFFFFFF  }
0xad: {  	[dreg:$0x0] =	wrdreg $0x60  }
0xae: {  	[dreg:$0x2] =	wrdreg s24  }
0xaf: {  	[dreg:$0x3] =	wrdreg s2  }
0xb0: {  	[dreg:$0x4] =	wrdreg $0x9  }
0xb1: {  	_ =	task.clear_ibuf [dreg:s7], $0x5FFFF;
	_ =	strace $0x90000046  }
0xb2: {  	s29 =	simm.s32 $0x9;
	_ =	strace $0x80000048  }
0xb3: {  	_ =	swait.ge [sflag:s29], $0x1  }
0xb4: {  	[sflag:s29] =	ssyncadd.s32 $0xFFFFFFFF  }
0xb5: {  	_ =	strace $0x90000048  }
0xb6: {  	_ =	sfence  }
0xb7: {  	s30 =	sld [smem:$0x0];
	_ =	sdelay $0x2  }
0xb8: {  	s31 =	sshll.u32 s1, $0xD;
	s1 =	sshrl.u32 s1, $0x2  }
0xb9: {  	s3 =	sand.u32 $0x4000, s31;
	s1 =	sadd.s32 s1, s30  }
0xba: {  	s0 =	sor.u32 s3, s0;
	s1 =	sshll.u32 s1, $0x11  }
0xbb: {  	s0 =	sor.u32 s1, s0  }
0xbc: {  	s0 =	sadd.s32 $0x8F2B, s0  }
0xbd: {  	[sflag:s0] =	ssyncadd.remote.s32 $0x1  }
0xbe: {  	_ =	sfence.sel $0xFFFF  }
0xbf: {  	[dreg:$0x0] =	wrdreg $0xFFFFFFFF;
	(pc) =	sbr.abs _section_cstart, $3  }
0xc0: {  	[dreg:$0x1] =	wrdreg $0xFFFFFFFF  }
0xc1: {  	_ =	task.clear_ibuf [dreg:s7], $0x2FFFF;
	_ =	strace $0x9FFFFFFF  }
0xc2: {  	(tm) =	ssettm $0x7FFFFFFF  }
0xc3: {  	_ =	shalt  }
tec
execute0_lowered:
.L_overlay_start_1:
0x0: {  	(tag) =	ssettag $0x1  }
0x1: {  	s1 =	srdreg.scid;
	s0 =	stileid.u32  }
0x2: {  	s7 =	sand.u32 $0x1, s1;
	s30 =	sshll.u32 s0, $0x1  }
0x3: {  	s1 =	sor.u32 s7, s30  }
0x4: {  	s2 =	smul.u32 $0x27, s1  }
0x5: {  	s1 =	smin.u32 s1, $0x2  }
0x6: {  	s1 =	sadd.s32 s1, s2  }
0x7: {  	s6 =	rddreg [dreg:$0x0];
	s2 =	smul.u32 $0xA3E, s1  }
0x8: {  	s5 =	simm.s32 $0x1;
	s3 =	rddreg [dreg:$0x1]  }
0x9: {  	s4 =	simm.s32 $0x0;
	s12 =	simm.s32 $0xE000;
	s2 =	sshrl.u32 s2, $0x10  }
0xa: {  	s13 =	simm.s32 $0x2;
	s14 =	simm.s32 $0x0;
	s2 =	sand.u32 $0x7, s2  }
0xb: {  	[smem:$0x7FF] =	sst s4;
	p0 =	slt.u32 s1, $0x19;
	p1 =	sne.s32 s2, $0x0  }
0xc: {  	s10 =	ssub.s32 $0x2, s7;
	s31 =	smul.u32 $0x51F, s1;
	p0 =	por !p0, !p1  }
0xd: {  	s7 =	simm.s32 $0x28;
	s11 =	sshrl.u32 s10, $0x1;
	p0 =	por !p0, !p0  }
0xe: {  	s10 =	ssub.s32 s10, s11;
	s8 =	sshrl.u32 s31, $0x12;
	s5 =	simm.s32 @!p0 $0x0  }
.Ltmp0:
0xf: {  	s11 =	simm.s32 $0x4000;
	s8 =	ssub.s32 s8, s5;
	(pc) =	sbr.rel .LBB2_1-.Ltmp0, $4  }
0x10: {  	s10 =	smax.u32 s10, $0x1;
	s2 =	rddreg [dreg:$0x2];
	s9 =	sshll.u32 s8, $0xA  }
0x11: {  	_ =	strace $0x80000047;
	p0 =	seq.s32 s0, $0x0;
	s9 =	sand.u32 $0x1FFFFC00, s9  }
0x12: {  	s5 =	simm.s32 $0x1;
	s7 =	simm.s32 @!p0 $0x27;
	s9 =	sadd.s32 s9, s6  }
0x13: {  	v0 =	vlaneseq.u32;
	v1 =	vimm.f32 $1.000000000e+00;
	v2 =	vimm.f32 $0.0e+00;
	s8 =	sshll.u32 s8, $0x3;
	s6 =	sadd.s32 $0x2400, s6;
	s9 =	sadd.s32 $0x400, s9  }
.LBB2_17:
0x14: {  	s14 =	sadd.s32 $0x1, s14  }
0x15: {  	_ =	swait.ge [sflag:s5], $0xA000;
	p0 =	sne.s32 s14, s10  }
.Ltmp1:
0x16: {  	[sflag:s5] =	ssyncset.done $0x0;
	(pc) =	sbr.rel @!p0 .LBB2_18-.Ltmp1, $4  }
0x17: {  	[sflag:s5] =	ssyncadd.s32 $0xFFFF6000  }
0x18: {  	_ =	swait.ge [sflag:s13], $0xA000  }
0x19: {  	[sflag:s13] =	ssyncset.done $0x0  }
0x1a: {  	[sflag:s13] =	ssyncadd.s32 $0xFFFF6000  }
.LBB2_1:
0x1b: {  	[tilespmem:s4], [sflag:$0x1] =	stream.linear.gather [hbm4b:s9+s4], $0x4000, $0x38;
	[tilespmem:$0x18000] =	vst v63  }
0x1c: {  	_ = 	snop  }
0x1d: {  	[tilespmem:s11], [sflag:$0x2] =	stream.linear.gather [hbm4b:s6+s4], $0xA000, $0x38;
	[tilespmem:$0x18000] =	vst v63  }
0x1e: {  	_ = 	snop  }
0x1f: {  	[tilespmem:s12], [sflag:$0x2] =	stream.linear.gather [hbm4b:s6+s4], $0xA000, $0x38;
	[tilespmem:$0x18000] =	vst v63  }
0x20: {  	_ =	swait.ge [sflag:s5], $0x4000  }
0x21: {  	[sflag:s5] =	ssyncset.done $0x0  }
0x22: {  	[sflag:s5] =	ssyncadd.s32 $0xFFFFC000  }
0x23: {  	_ =	swait.ge [sflag:s13], $0xA000  }
.Ltmp2:
0x24: {  	[sflag:s13] =	ssyncset.done $0x0;
	(pc) =	sbr.rel .LBB2_2-.Ltmp2, $4  }
0x25: {  	[sflag:s13] =	ssyncadd.s32 $0xFFFF6000  }
0x26: {  	_ =	swait.ge [sflag:s13], $0xA000  }
0x27: {  	[sflag:s13] =	ssyncset.done $0x0  }
0x28: {  	s15 =	simm.s32 $0x0;
	[sflag:s13] =	ssyncadd.s32 $0xFFFF6000  }
.LBB2_16:
0x29: {  	s15 =	sadd.s32 $0x1, s15  }
0x2a: {  	p0 =	sne.s32 s15, $0x14  }
.Ltmp3:
0x2b: {  	_ = 	snop;
	(pc) =	sbr.rel @!p0 .LBB2_17-.Ltmp3, $1  }
0x2c: {  	_ =	sdelay $0x3  }
.LBB2_2:
0x2d: {  	s16 =	sshll.u32 s15, $0x1  }
0x2e: {  	p0 =	sge.u32 s16, s7  }
.Ltmp4:
0x2f: {  	_ = 	snop;
	(pc) =	sbr.rel @p0 .LBB2_9-.Ltmp4, $1  }
0x30: {  	_ =	sdelay $0x3  }
0x31: {  	p0 =	seq.s32 s15, $0x0  }
.Ltmp5:
0x32: {  	_ = 	snop;
	(pc) =	sbr.rel @p0 .LBB2_6-.Ltmp5, $2  }
0x33: {  	_ =	sdelay $0x2  }
0x34: {  	s17 =	smov.u32 s1  }
0x35: {  	s17 =	sadd.s32 s1, s16  }
0x36: {  	s18 =	sadd.s32 $0xFFFFFFFE, s17  }
0x37: {  	s19 =	smulhi.u32 $0x51EB851F, s18;
	s20 =	sshra.s32 s18, $0x1F  }
0x38: {  	s20 =	smul.u32 $0x51EB851F, s20;
	_ =	sdelay $0x1  }
0x39: {  	s19 =	sadd.s32 s20, s19  }
0x3a: {  	s20 =	sshrl.u32 s19, $0x1F;
	s19 =	sshra.s32 s19, $0x3  }
0x3b: {  	s19 =	sadd.s32 s20, s19  }
0x3c: {  	s20 =	smul.u32 $0xFFFFFFE7, s19  }
0x3d: {  	s21 =	ssub.s32 $0x2, s17  }
0x3e: {  	p0 =	slt.u32 s17, $0x3;
	p1 =	sne.s32 s20, s21  }
0x3f: {  	p0 =	por !p0, !p1  }
0x40: {  	s20 =	simm.s32 $0x1;
	p0 =	por !p0, !p0  }
0x41: {  	s20 =	simm.s32 @!p0 $0x0  }
0x42: {  	s19 =	ssub.s32 s19, s20  }
0x43: {  	s20 =	smul.u32 $0xFFFFFFE7, s19;
	_ =	sdelay $0x1  }
0x44: {  	_ =	swait.ge [sflag:s5], $0xA000;
	s18 =	sadd.s32 s18, s20  }
0x45: {  	s29 =	ssub.s32 s19, s8;
	s19 =	sshll.u32 s19, $0x7;
	s20 =	smul.u32 $0x28, s18  }
0x46: {  	[sflag:s5] =	ssyncset.done $0x0;
	s30 =	sand.u32 $0x380, s19  }
0x47: {  	[sflag:s5] =	ssyncadd.s32 $0xFFFF6000;
	v5 =	vmov s30;
	s18 =	sshll.u32 s29, $0xA;
	s31 =	sadd.s32 $0x28, s20  }
0x48: {  	s19 =	simm.s32 $0x0;
	s18 =	sand.u32 $0xFFFFE000, s18;
	v3 =	vmov s20;
	s20 =	simm.s32 $0x0;
	v4 =	vmov s31  }
.LBB2_5:
0x49: {  	s21 =	sand.u32 $0x1C00, s19  }
0x4a: {  	s22 =	sand.u32 $0x40, s20;
	s21 =	sadd.s32 s21, s18  }
0x4b: {  	s22 =	sadd.s32 s22, s21  }
0x4c: {  	v6 =	vld.idx.msk [tilespmem:v5+s22+$0x0 ss:$0x1], $0xffff  }
0x4d: {  	v7 =	vmov s20  }
0x4e: {  	v8 =	vor.u32 s20, v0;
	v7 =	vshll.u32 v7, $0x3  }
0x4f: {  	v8 =	vand.u32 $0x4F, v8;
	v7 =	vand.u32 $0x1C00, v7  }
0x50: {  	v7 =	vor.u32 v7, v8  }
0x51: {  	vm0 =	vge.s32 v6, v3;
	v9 =	vsub.s32 v6, v3;
	v54 =	vshll.u32 v6, $0x7  }
0x52: {  	vm1 =	vlt.s32 v6, v4;
	v6 =	vshll.u32 v9, $0xA;
	v8 =	vand.u32 $0x380, v54  }
0x53: {  	vm0 =	vmand vm0, vm1;
	v6 =	vand.u32 $0xFFFFE000, v6;
	v7 =	vor.u32 v8, v7  }
0x54: {  	v6 =	vor.u32 v6, v7;
	_ =	sdelay $0x2  }
0x55: {  	s26 =	sadd.s32 $0x10, s20  }
0x56: {  	s23 =	sand.u32 $0x50, s26  }
0x57: {  	s23 =	sadd.s32 s23, s21;
	[tilespmem:v6+s11+$0x0] =	vst.idx.msk vm0, v2  }
0x58: {  	v6 =	vld.idx.msk [tilespmem:v5+s23+$0x0 ss:$0x1], $0xffff  }
0x59: {  	v7 =	vmov s26  }
0x5a: {  	v55 =	vor.u32 s26, v0;
	v7 =	vshll.u32 v7, $0x3  }
0x5b: {  	v8 =	vand.u32 $0x5F, v55;
	v7 =	vand.u32 $0x1C00, v7  }
0x5c: {  	v7 =	vor.u32 v7, v8  }
0x5d: {  	vm10 =	vge.s32 v6, v3;
	v56 =	vsub.s32 v6, v3;
	v57 =	vshll.u32 v6, $0x7  }
0x5e: {  	vm11 =	vlt.s32 v6, v4;
	v6 =	vshll.u32 v56, $0xA;
	v8 =	vand.u32 $0x380, v57  }
0x5f: {  	vm0 =	vmand vm10, vm11;
	v6 =	vand.u32 $0xFFFFE000, v6;
	v7 =	vor.u32 v8, v7  }
0x60: {  	v6 =	vor.u32 v6, v7;
	_ =	sdelay $0x2  }
0x61: {  	s28 =	sadd.s32 $0x20, s20  }
0x62: {  	s29 =	sand.u32 $0x60, s28  }
0x63: {  	s23 =	sadd.s32 s29, s21;
	[tilespmem:v6+s11+$0x0] =	vst.idx.msk vm0, v2  }
0x64: {  	v6 =	vld.idx.msk [tilespmem:v5+s23+$0x0 ss:$0x1], $0xffff  }
0x65: {  	v7 =	vmov s28  }
0x66: {  	v58 =	vor.u32 s28, v0;
	v7 =	vshll.u32 v7, $0x3  }
0x67: {  	v8 =	vand.u32 $0x6F, v58;
	v7 =	vand.u32 $0x1C00, v7  }
0x68: {  	v7 =	vor.u32 v7, v8  }
0x69: {  	vm12 =	vge.s32 v6, v3;
	v59 =	vsub.s32 v6, v3;
	v60 =	vshll.u32 v6, $0x7  }
0x6a: {  	vm13 =	vlt.s32 v6, v4;
	v6 =	vshll.u32 v59, $0xA;
	v8 =	vand.u32 $0x380, v60  }
0x6b: {  	vm0 =	vmand vm12, vm13;
	v6 =	vand.u32 $0xFFFFE000, v6;
	v7 =	vor.u32 v8, v7  }
0x6c: {  	v6 =	vor.u32 v6, v7;
	_ =	sdelay $0x2  }
0x6d: {  	s30 =	sadd.s32 $0x30, s20  }
0x6e: {  	s31 =	sand.u32 $0x70, s30  }
0x6f: {  	s21 =	sadd.s32 s31, s21;
	[tilespmem:v6+s11+$0x0] =	vst.idx.msk vm0, v2  }
0x70: {  	v6 =	vld.idx.msk [tilespmem:v5+s21+$0x0 ss:$0x1], $0xffff  }
0x71: {  	v7 =	vmov s30  }
0x72: {  	v61 =	vor.u32 s30, v0;
	v7 =	vshll.u32 v7, $0x3  }
0x73: {  	v8 =	vand.u32 $0x7F, v61;
	v7 =	vand.u32 $0x1C00, v7  }
0x74: {  	v7 =	vor.u32 v7, v8  }
0x75: {  	vm14 =	vge.s32 v6, v3;
	v62 =	vsub.s32 v6, v3;
	v63 =	vshll.u32 v6, $0x7  }
0x76: {  	vm15 =	vlt.s32 v6, v4;
	v6 =	vshll.u32 v62, $0xA;
	v8 =	vand.u32 $0x380, v63  }
0x77: {  	vm0 =	vmand vm14, vm15;
	v6 =	vand.u32 $0xFFFFE000, v6;
	v7 =	vor.u32 v8, v7  }
0x78: {  	p0 =	sne.s32 s20, $0x3C0;
	v6 =	vor.u32 v6, v7  }
.Ltmp6:
0x79: {  	_ = 	snop;
	(pc) =	sbr.rel @p0 .LBB2_5-.Ltmp6, $2  }
0x7a: {  	_ =	sdelay $0x2  }
0x7b: {  	s19 =	sadd.s32 $0x200, s19;
	s20 =	sadd.s32 $0x40, s20;
	[tilespmem:v6+s11+$0x0] =	vst.idx.msk vm0, v2  }
.LBB2_6:
0x7c: {  	s19 =	smulhi.u32 $0x51EB851F, s17;
	_ =	sdelay $0x1  }
0x7d: {  	s18 =	sshrl.u32 s19, $0x3  }
0x7e: {  	s20 =	smul.u32 $0xFFFFFFE7, s18;
	_ =	sdelay $0x1  }
0x7f: {  	s17 =	sadd.s32 s17, s20  }
0x80: {  	s19 =	sshll.u32 s19, $0x4;
	s20 =	smul.u32 $0x28, s17  }
0x81: {  	s21 =	ssub.s32 s18, s8;
	s22 =	sand.u32 $0x380, s19  }
0x82: {  	s21 =	sshll.u32 s21, $0xA;
	v5 =	vmov s22;
	s23 =	sadd.s32 $0x28, s20  }
0x83: {  	s19 =	sand.u32 $0xFFFFE000, s21;
	s21 =	simm.s32 $0x0;
	v3 =	vmov s20;
	s20 =	simm.s32 $0x0;
	v4 =	vmov s23  }
.LBB2_7:
0x84: {  	s22 =	sand.u32 $0x1C00, s20  }
0x85: {  	s23 =	sand.u32 $0x40, s21;
	s22 =	sadd.s32 s22, s19  }
0x86: {  	s23 =	sadd.s32 s23, s22  }
0x87: {  	v6 =	vld.idx.msk [tilespmem:v5+s23+$0x0 ss:$0x1], $0xffff  }
0x88: {  	v7 =	vmov s21  }
0x89: {  	v8 =	vor.u32 s21, v0;
	v7 =	vshll.u32 v7, $0x3  }
0x8a: {  	v8 =	vand.u32 $0x4F, v8;
	v7 =	vand.u32 $0x1C00, v7  }
0x8b: {  	v7 =	vor.u32 v7, v8  }
0x8c: {  	vm0 =	vge.s32 v6, v3;
	v9 =	vsub.s32 v6, v3;
	v54 =	vshll.u32 v6, $0x7  }
0x8d: {  	vm1 =	vlt.s32 v6, v4;
	v6 =	vshll.u32 v9, $0xA;
	v8 =	vand.u32 $0x380, v54  }
0x8e: {  	vm0 =	vmand vm0, vm1;
	v6 =	vand.u32 $0xFFFFE000, v6;
	v7 =	vor.u32 v8, v7  }
0x8f: {  	v6 =	vor.u32 v6, v7;
	_ =	sdelay $0x2  }
0x90: {  	s26 =	sadd.s32 $0x10, s21  }
0x91: {  	s24 =	sand.u32 $0x50, s26  }
0x92: {  	s24 =	sadd.s32 s24, s22;
	[tilespmem:v6+s11+$0x0] =	vst.idx.msk vm0, v1  }
0x93: {  	v6 =	vld.idx.msk [tilespmem:v5+s24+$0x0 ss:$0x1], $0xffff  }
0x94: {  	v7 =	vmov s26  }
0x95: {  	v55 =	vor.u32 s26, v0;
	v7 =	vshll.u32 v7, $0x3  }
0x96: {  	v8 =	vand.u32 $0x5F, v55;
	v7 =	vand.u32 $0x1C00, v7  }
0x97: {  	v7 =	vor.u32 v7, v8  }
0x98: {  	vm10 =	vge.s32 v6, v3;
	v56 =	vsub.s32 v6, v3;
	v57 =	vshll.u32 v6, $0x7  }
0x99: {  	vm11 =	vlt.s32 v6, v4;
	v6 =	vshll.u32 v56, $0xA;
	v8 =	vand.u32 $0x380, v57  }
0x9a: {  	vm0 =	vmand vm10, vm11;
	v6 =	vand.u32 $0xFFFFE000, v6;
	v7 =	vor.u32 v8, v7  }
0x9b: {  	v6 =	vor.u32 v6, v7;
	_ =	sdelay $0x2  }
0x9c: {  	s28 =	sadd.s32 $0x20, s21  }
0x9d: {  	s29 =	sand.u32 $0x60, s28  }
0x9e: {  	s24 =	sadd.s32 s29, s22;
	[tilespmem:v6+s11+$0x0] =	vst.idx.msk vm0, v1  }
0x9f: {  	v6 =	vld.idx.msk [tilespmem:v5+s24+$0x0 ss:$0x1], $0xffff  }
0xa0: {  	v7 =	vmov s28  }
0xa1: {  	v58 =	vor.u32 s28, v0;
	v7 =	vshll.u32 v7, $0x3  }
0xa2: {  	v8 =	vand.u32 $0x6F, v58;
	v7 =	vand.u32 $0x1C00, v7  }
0xa3: {  	v7 =	vor.u32 v7, v8  }
0xa4: {  	vm12 =	vge.s32 v6, v3;
	v59 =	vsub.s32 v6, v3;
	v60 =	vshll.u32 v6, $0x7  }
0xa5: {  	vm13 =	vlt.s32 v6, v4;
	v6 =	vshll.u32 v59, $0xA;
	v8 =	vand.u32 $0x380, v60  }
0xa6: {  	vm0 =	vmand vm12, vm13;
	v6 =	vand.u32 $0xFFFFE000, v6;
	v7 =	vor.u32 v8, v7  }
0xa7: {  	v6 =	vor.u32 v6, v7;
	_ =	sdelay $0x2  }
0xa8: {  	s30 =	sadd.s32 $0x30, s21  }
0xa9: {  	s31 =	sand.u32 $0x70, s30  }
0xaa: {  	s22 =	sadd.s32 s31, s22;
	[tilespmem:v6+s11+$0x0] =	vst.idx.msk vm0, v1  }
0xab: {  	v6 =	vld.idx.msk [tilespmem:v5+s22+$0x0 ss:$0x1], $0xffff  }
0xac: {  	v7 =	vmov s30  }
0xad: {  	v61 =	vor.u32 s30, v0;
	v7 =	vshll.u32 v7, $0x3  }
0xae: {  	v8 =	vand.u32 $0x7F, v61;
	v7 =	vand.u32 $0x1C00, v7  }
0xaf: {  	v7 =	vor.u32 v7, v8  }
0xb0: {  	vm14 =	vge.s32 v6, v3;
	v62 =	vsub.s32 v6, v3;
	v63 =	vshll.u32 v6, $0x7  }
0xb1: {  	vm15 =	vlt.s32 v6, v4;
	v6 =	vshll.u32 v62, $0xA;
	v8 =	vand.u32 $0x380, v63  }
0xb2: {  	vm0 =	vmand vm14, vm15;
	v6 =	vand.u32 $0xFFFFE000, v6;
	v7 =	vor.u32 v8, v7  }
0xb3: {  	p0 =	sne.s32 s21, $0x3C0;
	v6 =	vor.u32 v6, v7  }
.Ltmp7:
0xb4: {  	_ = 	snop;
	(pc) =	sbr.rel @p0 .LBB2_7-.Ltmp7, $2  }
0xb5: {  	_ =	sdelay $0x2  }
0xb6: {  	s20 =	sadd.s32 $0x200, s20;
	s21 =	sadd.s32 $0x40, s21;
	[tilespmem:v6+s11+$0x0] =	vst.idx.msk vm0, v1  }
0xb7: {  	s18 =	smul.u32 $0xFA000, s18  }
0xb8: {  	s17 =	smul.u32 $0xA000, s17;
	_ =	sdelay $0x1  }
0xb9: {  	s17 =	sadd.s32 s18, s17  }
0xba: {  	s17 =	sshrl.u32 s17, $0x3  }
0xbb: {  	s17 =	sadd.s32 s3, s17  }
0xbc: {  	[hbm4b:s17+s4] =	stream.linear.scatter [tilespmem:s11], [sflag:$0x1], $0xA000, $0x38;
	[tilespmem:$0x18000] =	vst v63  }
.LBB2_9:
0xbd: {  	s16 =	sor.u32 $0x1, s16  }
0xbe: {  	p0 =	sge.u32 s16, s7  }
.Ltmp8:
0xbf: {  	_ = 	snop;
	(pc) =	sbr.rel @p0 .LBB2_16-.Ltmp8, $1  }
0xc0: {  	_ =	sdelay $0x3  }
0xc1: {  	p0 =	sne.s32 s15, $0x0  }
.Ltmp9:
0xc2: {  	_ = 	snop;
	(pc) =	sbr.rel @!p0 .LBB2_13-.Ltmp9, $2  }
0xc3: {  	_ =	sdelay $0x2  }
0xc4: {  	s16 =	sadd.s32 s1, s16  }
0xc5: {  	s17 =	sadd.s32 $0xFFFFFFFE, s16  }
0xc6: {  	s18 =	smulhi.u32 $0x51EB851F, s17;
	s19 =	sshra.s32 s17, $0x1F  }
0xc7: {  	s19 =	smul.u32 $0x51EB851F, s19;
	_ =	sdelay $0x1  }
0xc8: {  	s18 =	sadd.s32 s19, s18  }
0xc9: {  	s19 =	sshrl.u32 s18, $0x1F;
	s18 =	sshra.s32 s18, $0x3  }
0xca: {  	s18 =	sadd.s32 s19, s18  }
0xcb: {  	s19 =	smul.u32 $0xFFFFFFE7, s18  }
0xcc: {  	s20 =	ssub.s32 $0x2, s16  }
0xcd: {  	p0 =	slt.u32 s16, $0x3;
	p1 =	sne.s32 s19, s20  }
0xce: {  	p0 =	por !p0, !p1  }
0xcf: {  	s19 =	simm.s32 $0x1;
	p0 =	por !p0, !p0  }
0xd0: {  	s19 =	simm.s32 @!p0 $0x0  }
0xd1: {  	s18 =	ssub.s32 s18, s19  }
0xd2: {  	s19 =	smul.u32 $0xFFFFFFE7, s18;
	_ =	sdelay $0x1  }
0xd3: {  	_ =	swait.ge [sflag:s13], $0xA000;
	s17 =	sadd.s32 s17, s19  }
0xd4: {  	s29 =	ssub.s32 s18, s8;
	s18 =	sshll.u32 s18, $0x7;
	s19 =	smul.u32 $0x28, s17  }
0xd5: {  	[sflag:s13] =	ssyncset.done $0x0;
	s30 =	sand.u32 $0x380, s18  }
0xd6: {  	[sflag:s13] =	ssyncadd.s32 $0xFFFF6000;
	v5 =	vmov s30;
	s17 =	sshll.u32 s29, $0xA;
	s31 =	sadd.s32 $0x28, s19  }
0xd7: {  	s18 =	simm.s32 $0x0;
	s17 =	sand.u32 $0xFFFFE000, s17;
	v3 =	vmov s19;
	s19 =	simm.s32 $0x0;
	v4 =	vmov s31  }
.LBB2_12:
0xd8: {  	s20 =	sand.u32 $0x1C00, s18  }
0xd9: {  	s21 =	sand.u32 $0x40, s19;
	s20 =	sadd.s32 s20, s17  }
0xda: {  	s21 =	sadd.s32 s21, s20  }
0xdb: {  	v6 =	vld.idx.msk [tilespmem:v5+s21+$0x0 ss:$0x1], $0xffff  }
0xdc: {  	v7 =	vmov s19  }
0xdd: {  	v8 =	vor.u32 s19, v0;
	v7 =	vshll.u32 v7, $0x3  }
0xde: {  	v8 =	vand.u32 $0x4F, v8;
	v7 =	vand.u32 $0x1C00, v7  }
0xdf: {  	v7 =	vor.u32 v7, v8  }
0xe0: {  	vm0 =	vge.s32 v6, v3;
	v9 =	vsub.s32 v6, v3;
	v54 =	vshll.u32 v6, $0x7  }
0xe1: {  	vm1 =	vlt.s32 v6, v4;
	v6 =	vshll.u32 v9, $0xA;
	v8 =	vand.u32 $0x380, v54  }
0xe2: {  	vm0 =	vmand vm0, vm1;
	v6 =	vand.u32 $0xFFFFE000, v6;
	v7 =	vor.u32 v8, v7  }
0xe3: {  	v6 =	vor.u32 v6, v7;
	_ =	sdelay $0x2  }
0xe4: {  	s26 =	sadd.s32 $0x10, s19  }
0xe5: {  	s22 =	sand.u32 $0x50, s26  }
0xe6: {  	s22 =	sadd.s32 s22, s20;
	[tilespmem:v6+s12+$0x0] =	vst.idx.msk vm0, v2  }
0xe7: {  	v6 =	vld.idx.msk [tilespmem:v5+s22+$0x0 ss:$0x1], $0xffff  }
0xe8: {  	v7 =	vmov s26  }
0xe9: {  	v55 =	vor.u32 s26, v0;
	v7 =	vshll.u32 v7, $0x3  }
0xea: {  	v8 =	vand.u32 $0x5F, v55;
	v7 =	vand.u32 $0x1C00, v7  }
0xeb: {  	v7 =	vor.u32 v7, v8  }
0xec: {  	vm10 =	vge.s32 v6, v3;
	v56 =	vsub.s32 v6, v3;
	v57 =	vshll.u32 v6, $0x7  }
0xed: {  	vm11 =	vlt.s32 v6, v4;
	v6 =	vshll.u32 v56, $0xA;
	v8 =	vand.u32 $0x380, v57  }
0xee: {  	vm0 =	vmand vm10, vm11;
	v6 =	vand.u32 $0xFFFFE000, v6;
	v7 =	vor.u32 v8, v7  }
0xef: {  	v6 =	vor.u32 v6, v7;
	_ =	sdelay $0x2  }
0xf0: {  	s28 =	sadd.s32 $0x20, s19  }
0xf1: {  	s29 =	sand.u32 $0x60, s28  }
0xf2: {  	s22 =	sadd.s32 s29, s20;
	[tilespmem:v6+s12+$0x0] =	vst.idx.msk vm0, v2  }
0xf3: {  	v6 =	vld.idx.msk [tilespmem:v5+s22+$0x0 ss:$0x1], $0xffff  }
0xf4: {  	v7 =	vmov s28  }
0xf5: {  	v58 =	vor.u32 s28, v0;
	v7 =	vshll.u32 v7, $0x3  }
0xf6: {  	v8 =	vand.u32 $0x6F, v58;
	v7 =	vand.u32 $0x1C00, v7  }
0xf7: {  	v7 =	vor.u32 v7, v8  }
0xf8: {  	vm12 =	vge.s32 v6, v3;
	v59 =	vsub.s32 v6, v3;
	v60 =	vshll.u32 v6, $0x7  }
0xf9: {  	vm13 =	vlt.s32 v6, v4;
	v6 =	vshll.u32 v59, $0xA;
	v8 =	vand.u32 $0x380, v60  }
0xfa: {  	vm0 =	vmand vm12, vm13;
	v6 =	vand.u32 $0xFFFFE000, v6;
	v7 =	vor.u32 v8, v7  }
0xfb: {  	v6 =	vor.u32 v6, v7;
	_ =	sdelay $0x2  }
0xfc: {  	s30 =	sadd.s32 $0x30, s19  }
0xfd: {  	s31 =	sand.u32 $0x70, s30  }
0xfe: {  	s20 =	sadd.s32 s31, s20;
	[tilespmem:v6+s12+$0x0] =	vst.idx.msk vm0, v2  }
0xff: {  	v6 =	vld.idx.msk [tilespmem:v5+s20+$0x0 ss:$0x1], $0xffff  }
0x100: {  	v7 =	vmov s30  }
0x101: {  	v61 =	vor.u32 s30, v0;
	v7 =	vshll.u32 v7, $0x3  }
0x102: {  	v8 =	vand.u32 $0x7F, v61;
	v7 =	vand.u32 $0x1C00, v7  }
0x103: {  	v7 =	vor.u32 v7, v8  }
0x104: {  	vm14 =	vge.s32 v6, v3;
	v62 =	vsub.s32 v6, v3;
	v63 =	vshll.u32 v6, $0x7  }
0x105: {  	vm15 =	vlt.s32 v6, v4;
	v6 =	vshll.u32 v62, $0xA;
	v8 =	vand.u32 $0x380, v63  }
0x106: {  	vm0 =	vmand vm14, vm15;
	v6 =	vand.u32 $0xFFFFE000, v6;
	v7 =	vor.u32 v8, v7  }
0x107: {  	p0 =	sne.s32 s19, $0x3C0;
	v6 =	vor.u32 v6, v7  }
.Ltmp10:
0x108: {  	_ = 	snop;
	(pc) =	sbr.rel @p0 .LBB2_12-.Ltmp10, $2  }
0x109: {  	_ =	sdelay $0x2  }
0x10a: {  	s18 =	sadd.s32 $0x200, s18;
	s19 =	sadd.s32 $0x40, s19;
	[tilespmem:v6+s12+$0x0] =	vst.idx.msk vm0, v2  }
.LBB2_13:
0x10b: {  	s18 =	smulhi.u32 $0x51EB851F, s16;
	_ =	sdelay $0x1  }
0x10c: {  	s17 =	sshrl.u32 s18, $0x3  }
0x10d: {  	s19 =	smul.u32 $0xFFFFFFE7, s17;
	_ =	sdelay $0x1  }
0x10e: {  	s16 =	sadd.s32 s16, s19  }
0x10f: {  	s18 =	sshll.u32 s18, $0x4;
	s19 =	smul.u32 $0x28, s16  }
0x110: {  	s20 =	ssub.s32 s17, s8;
	s21 =	sand.u32 $0x380, s18  }
0x111: {  	s20 =	sshll.u32 s20, $0xA;
	v5 =	vmov s21;
	s22 =	sadd.s32 $0x28, s19  }
0x112: {  	s18 =	sand.u32 $0xFFFFE000, s20;
	s20 =	simm.s32 $0x0;
	v3 =	vmov s19;
	s19 =	simm.s32 $0x0;
	v4 =	vmov s22  }
.LBB2_14:
0x113: {  	s21 =	sand.u32 $0x1C00, s19  }
0x114: {  	s22 =	sand.u32 $0x40, s20;
	s21 =	sadd.s32 s21, s18  }
0x115: {  	s22 =	sadd.s32 s22, s21  }
0x116: {  	v6 =	vld.idx.msk [tilespmem:v5+s22+$0x0 ss:$0x1], $0xffff  }
0x117: {  	v7 =	vmov s20  }
0x118: {  	v8 =	vor.u32 s20, v0;
	v7 =	vshll.u32 v7, $0x3  }
0x119: {  	v8 =	vand.u32 $0x4F, v8;
	v7 =	vand.u32 $0x1C00, v7  }
0x11a: {  	v7 =	vor.u32 v7, v8  }
0x11b: {  	vm0 =	vge.s32 v6, v3;
	v9 =	vsub.s32 v6, v3;
	v54 =	vshll.u32 v6, $0x7  }
0x11c: {  	vm1 =	vlt.s32 v6, v4;
	v6 =	vshll.u32 v9, $0xA;
	v8 =	vand.u32 $0x380, v54  }
0x11d: {  	vm0 =	vmand vm0, vm1;
	v6 =	vand.u32 $0xFFFFE000, v6;
	v7 =	vor.u32 v8, v7  }
0x11e: {  	v6 =	vor.u32 v6, v7;
	_ =	sdelay $0x2  }
0x11f: {  	s26 =	sadd.s32 $0x10, s20  }
0x120: {  	s23 =	sand.u32 $0x50, s26  }
0x121: {  	s23 =	sadd.s32 s23, s21;
	[tilespmem:v6+s12+$0x0] =	vst.idx.msk vm0, v1  }
0x122: {  	v6 =	vld.idx.msk [tilespmem:v5+s23+$0x0 ss:$0x1], $0xffff  }
0x123: {  	v7 =	vmov s26  }
0x124: {  	v55 =	vor.u32 s26, v0;
	v7 =	vshll.u32 v7, $0x3  }
0x125: {  	v8 =	vand.u32 $0x5F, v55;
	v7 =	vand.u32 $0x1C00, v7  }
0x126: {  	v7 =	vor.u32 v7, v8  }
0x127: {  	vm10 =	vge.s32 v6, v3;
	v56 =	vsub.s32 v6, v3;
	v57 =	vshll.u32 v6, $0x7  }
0x128: {  	vm11 =	vlt.s32 v6, v4;
	v6 =	vshll.u32 v56, $0xA;
	v8 =	vand.u32 $0x380, v57  }
0x129: {  	vm0 =	vmand vm10, vm11;
	v6 =	vand.u32 $0xFFFFE000, v6;
	v7 =	vor.u32 v8, v7  }
0x12a: {  	v6 =	vor.u32 v6, v7;
	_ =	sdelay $0x2  }
0x12b: {  	s28 =	sadd.s32 $0x20, s20  }
0x12c: {  	s29 =	sand.u32 $0x60, s28  }
0x12d: {  	s23 =	sadd.s32 s29, s21;
	[tilespmem:v6+s12+$0x0] =	vst.idx.msk vm0, v1  }
0x12e: {  	v6 =	vld.idx.msk [tilespmem:v5+s23+$0x0 ss:$0x1], $0xffff  }
0x12f: {  	v7 =	vmov s28  }
0x130: {  	v58 =	vor.u32 s28, v0;
	v7 =	vshll.u32 v7, $0x3  }
0x131: {  	v8 =	vand.u32 $0x6F, v58;
	v7 =	vand.u32 $0x1C00, v7  }
0x132: {  	v7 =	vor.u32 v7, v8  }
0x133: {  	vm12 =	vge.s32 v6, v3;
	v59 =	vsub.s32 v6, v3;
	v60 =	vshll.u32 v6, $0x7  }
0x134: {  	vm13 =	vlt.s32 v6, v4;
	v6 =	vshll.u32 v59, $0xA;
	v8 =	vand.u32 $0x380, v60  }
0x135: {  	vm0 =	vmand vm12, vm13;
	v6 =	vand.u32 $0xFFFFE000, v6;
	v7 =	vor.u32 v8, v7  }
0x136: {  	v6 =	vor.u32 v6, v7;
	_ =	sdelay $0x2  }
0x137: {  	s30 =	sadd.s32 $0x30, s20  }
0x138: {  	s31 =	sand.u32 $0x70, s30  }
0x139: {  	s21 =	sadd.s32 s31, s21;
	[tilespmem:v6+s12+$0x0] =	vst.idx.msk vm0, v1  }
0x13a: {  	v6 =	vld.idx.msk [tilespmem:v5+s21+$0x0 ss:$0x1], $0xffff  }
0x13b: {  	v7 =	vmov s30  }
0x13c: {  	v61 =	vor.u32 s30, v0;
	v7 =	vshll.u32 v7, $0x3  }
0x13d: {  	v8 =	vand.u32 $0x7F, v61;
	v7 =	vand.u32 $0x1C00, v7  }
0x13e: {  	v7 =	vor.u32 v7, v8  }
0x13f: {  	vm14 =	vge.s32 v6, v3;
	v62 =	vsub.s32 v6, v3;
	v63 =	vshll.u32 v6, $0x7  }
0x140: {  	vm15 =	vlt.s32 v6, v4;
	v6 =	vshll.u32 v62, $0xA;
	v8 =	vand.u32 $0x380, v63  }
0x141: {  	vm0 =	vmand vm14, vm15;
	v6 =	vand.u32 $0xFFFFE000, v6;
	v7 =	vor.u32 v8, v7  }
0x142: {  	p0 =	sne.s32 s20, $0x3C0;
	v6 =	vor.u32 v6, v7  }
.Ltmp11:
0x143: {  	_ = 	snop;
	(pc) =	sbr.rel @p0 .LBB2_14-.Ltmp11, $2  }
0x144: {  	_ =	sdelay $0x2  }
0x145: {  	s19 =	sadd.s32 $0x200, s19;
	s20 =	sadd.s32 $0x40, s20;
	[tilespmem:v6+s12+$0x0] =	vst.idx.msk vm0, v1  }
0x146: {  	s17 =	smul.u32 $0xFA000, s17  }
0x147: {  	s16 =	smul.u32 $0xA000, s16  }
.Ltmp12:
0x148: {  	_ = 	snop;
	(pc) =	sbr.rel .LBB2_16-.Ltmp12, $4  }
0x149: {  	s16 =	sadd.s32 s17, s16  }
0x14a: {  	s16 =	sshrl.u32 s16, $0x3  }
0x14b: {  	s16 =	sadd.s32 s3, s16  }
0x14c: {  	[hbm4b:s16+s4] =	stream.linear.scatter [tilespmem:s12], [sflag:$0x2], $0xA000, $0x38;
	[tilespmem:$0x18000] =	vst v63  }
.LBB2_18:
0x14d: {  	_ =	sfence.sel $0x180000  }
0x14e: {  	[bflag:$0x0] =	sbarrier.arrive $0xFFFF  }
0x14f: {  	p0 =	sne.s32 s0, $0x0;
	_ =	strace $0x90000047  }
0x150: {  	s0 =	sadd.s32 @!p0 $0x100000, s2;
	[bflag:$0x2] =	sbarrier.arrive $0xFFFF  }
0x151: {  	[sflag:s0] =	ssyncadd.tile.s32 @!p0 $0x1;
	_ =	shalt  }
.Lfunc_end2:
_tile_overlayer_lowered:
.L_overlay_start_2:
0x152: {  	(tag) =	ssettag $0x2  }
0x153: {  	s0 =	rddreg [dreg:$0x0];
	s2 =	stileid.u32  }
0x154: {  	s1 =	rddreg [dreg:$0x1];
	p0 =	sne.s32 s2, $0x0  }
0x155: {  	s3 =	rddreg [dreg:$0x2];
	[bflag:$0x3] =	sbarrier.arrive $0xFFFF;
	s2 =	simm.s32 @!p0 $0x1C03  }
0x156: {  	[timem:s3], [sflag:s2] =	dma.local @!p0 [hbm:s0], s1  }
0x157: {  	s0 =	simm.s32 @!p0 $0x3  }
0x158: {  	_ =	swait.ge @!p0 [sflag:s0], s1  }
0x159: {  	s1 =	ssub.s32 @!p0 $0x0, s1;
	[sflag:s0] =	ssyncset.done @!p0 $0x0  }
0x15a: {  	[sflag:s0] =	ssyncadd.s32 @!p0 s1  }
0x15b: {  	[bflag:$0x3] =	sbarrier.arrive $0xFFFF  }
0x15c: {  	_ =	shalt  }

</sc_bundles>
